<compile_context>
chip_gen: v7x
topology: tpu7x:2x2x1
jax: 0.10.2.dev20260603
libtpu: 0.0.44.dev20260713+nightly
codegen_flags: <defaults>
</compile_context>

<pallas_src>
import jax
import jax.numpy as jnp
from jax import lax
from jax.experimental import pallas as pl
from jax.experimental.pallas import tpu as pltpu
from jax.experimental.pallas import tpu_sc as plsc

N = 10000
E = 320000
D = 128
NC, NS, LANES = 2, 16, 16
NW = NC * NS
TILE = 128
NTILES = E // TILE
TPW = NTILES // NW
CHUNK = TPW * TILE
REM = NTILES - TPW * NW
STEPS = CHUNK // LANES
GROUP = 26
NPAD = 10240
NPAR = 64


def _sc_body(edge_hbm, opv_hbm, cntf_hbm, cntb_hbm,
             ed_v, ed2_v, cntf_v, cntb_v, opv_v, sem):
    c = lax.axis_index("c")
    s = lax.axis_index("s")
    wid = s * NC + c
    base = wid * CHUNK
    cps = [
        pltpu.async_copy(edge_hbm.at[:, pl.ds(base, CHUNK)], ed_v, sem),
        pltpu.async_copy(opv_hbm, opv_v, sem),
    ]
    z16 = jnp.zeros((LANES,), jnp.float32)

    def zstep(i, carry):
        cntf_v[pl.ds(i * LANES, LANES)] = z16
        cntb_v[pl.ds(i * LANES, LANES)] = z16
        return carry

    lax.fori_loop(0, NPAD // LANES, zstep, 0)
    for cp in cps:
        cp.wait()
    opvec = opv_v[...]
    ones = jnp.ones((LANES,), jnp.float32)
    lane_iota = lax.iota(jnp.int32, LANES)

    def scatter_vreg(s16, d16, mf, mb):
        @pl.when(jnp.sum((mf | mb).astype(jnp.int32)) > 0)
        def _():
            def jstep(j, carry):
                lane = lane_iota == j
                plsc.addupdate_scatter(cntf_v, [s16], ones, mask=mf & lane)
                plsc.addupdate_scatter(cntb_v, [d16], ones, mask=mb & lane)
                return carry

            lax.fori_loop(0, LANES, jstep, 0)

    def scan_vreg(ref, off):
        s16 = ref[0, pl.ds(off, LANES)]
        d16 = ref[1, pl.ds(off, LANES)]
        scatter_vreg(s16, d16, d16 == opvec, s16 == opvec)

    def group_step(g, carry):
        gbase = g * (GROUP * LANES)
        hit = jnp.zeros((LANES,), jnp.bool_)
        for k in range(GROUP):
            s16 = ed_v[0, pl.ds(gbase + k * LANES, LANES)]
            d16 = ed_v[1, pl.ds(gbase + k * LANES, LANES)]
            hit = hit | (s16 == opvec) | (d16 == opvec)

        @pl.when(jnp.sum(hit.astype(jnp.int32)) > 0)
        def _():
            def kstep(k, carry2):
                scan_vreg(ed_v, gbase + k * LANES)
                return carry2

            lax.fori_loop(0, GROUP, kstep, 0)

        return carry

    lax.fori_loop(0, STEPS // GROUP, group_step, 0)

    @pl.when(wid < REM)
    def _():
        pltpu.sync_copy(edge_hbm.at[:, pl.ds(NW * CHUNK + wid * TILE, TILE)],
                        ed2_v)

        def lstep(k, carry):
            scan_vreg(ed2_v, k * LANES)
            return carry

        lax.fori_loop(0, TILE // LANES, lstep, 0)

    wcs = [
        pltpu.async_copy(cntf_v, cntf_hbm.at[pl.ds(wid * NPAD, NPAD)], sem),
        pltpu.async_copy(cntb_v, cntb_hbm.at[pl.ds(wid * NPAD, NPAD)], sem),
    ]
    for cp in wcs:
        cp.wait()


def _make_sc_counts():
    return pl.kernel(
        _sc_body,
        out_type=(
            jax.ShapeDtypeStruct((NW * NPAD,), jnp.float32),
            jax.ShapeDtypeStruct((NW * NPAD,), jnp.float32),
        ),
        mesh=plsc.VectorSubcoreMesh(core_axis_name="c", subcore_axis_name="s",
                                    num_cores=NC, num_subcores=NS),
        scratch_types=[
            pltpu.VMEM((2, CHUNK), jnp.int32),
            pltpu.VMEM((2, TILE), jnp.int32),
            pltpu.VMEM((NPAD,), jnp.float32),
            pltpu.VMEM((NPAD,), jnp.float32),
            pltpu.VMEM((LANES,), jnp.int32),
            pltpu.SemaphoreType.DMA,
        ],
        compiler_params=pltpu.CompilerParams(needs_layout_passes=False,
                                             skip_device_barrier=True,
                                             disable_bounds_checks=True,
                                             disable_semaphore_checks=True),
        name="devnet_edge_counts_sc",
    )


def _dot_t(a, b):
    return lax.dot_general(a, b, (((1,), (1,)), ((), ())),
                           preferred_element_type=jnp.float32)


def _dot(a, b):
    return lax.dot_general(a, b, (((1,), (0,)), ((), ())),
                           preferred_element_type=jnp.float32)


def _tc_a_body(op_ref, par_ref, feat_ref, wf_ref, alf_ref, arf_ref,
               wb_ref, alb_ref, arb_ref, el_ref, aux_ref):
    feat = feat_ref[...]
    wl = jnp.concatenate([_dot_t(alf_ref[...], wf_ref[...]),
                          _dot_t(alb_ref[...], wb_ref[...])], axis=0)
    fop = feat_ref[pl.ds(op_ref[0], 1), :]
    er_f = _dot_t(fop, _dot_t(arf_ref[...], wf_ref[...]))
    er_b = _dot_t(fop, _dot_t(arb_ref[...], wb_ref[...]))
    el_ref[...] = _dot_t(wl, feat)

    def pstep(i, acc):
        return acc + feat_ref[pl.ds(par_ref[i], 1), :]

    para = lax.fori_loop(0, NPAR, pstep, jnp.zeros((1, D), jnp.float32))
    aux_ref[0:1, :] = fop
    aux_ref[1:2, :] = para
    aux_ref[2:3, :] = jnp.concatenate(
        [er_f, er_b, jnp.zeros((1, D - 2), jnp.float32)], axis=1)


def _tc_b_body(el_ref, aux_ref, feat_ref, cntf_ref, cntb_ref,
               wf_ref, bf_ref, wb_ref, bb_ref, out_ref):
    feat = feat_ref[...]
    er2 = jnp.concatenate([aux_ref[2:3, 0:1], aux_ref[2:3, 1:2]],
                          axis=0)
    x = el_ref[...] + er2
    v = jnp.where(x >= 0.0, x, 0.2 * x)
    cfp = cntf_ref[...]
    cbp = cntb_ref[...]
    cf1 = cfp[0:NPAD]
    cb1 = cbp[0:NPAD]
    for w in range(1, NW):
        cf1 = cf1 + cfp[w * NPAD:(w + 1) * NPAD]
        cb1 = cb1 + cbp[w * NPAD:(w + 1) * NPAD]
    cf = cf1[:N].reshape(1, N)
    cb = cb1[:N].reshape(1, N)
    cnt = jnp.concatenate([cf, cb], axis=0)
    has = cnt > 0.0
    vm = jnp.where(has, v, -jnp.inf)
    m = jnp.max(vm, axis=1, keepdims=True)
    m0 = jnp.where(jnp.isfinite(m), m, 0.0)
    numer = jnp.where(has, cnt * jnp.exp(vm - m0), 0.0)
    den = jnp.sum(numer, axis=1, keepdims=True)
    wgt = numer / jnp.maximum(den, 1e-16)
    pre = _dot(wgt, feat)
    out_ref[0:1, :] = _dot(pre[0:1, :], wf_ref[...]) + bf_ref[...]
    out_ref[1:2, :] = _dot(pre[1:2, :], wb_ref[...]) + bb_ref[...]
    out_ref[2:3, :] = aux_ref[0:1, :]
    out_ref[3:4, :] = aux_ref[1:2, :]


def kernel(feat, edge_index, op, parallel, W_f, attn_l_f, attn_r_f, bias_f,
           W_b, attn_l_b, attn_r_b, bias_b):
    op32 = jnp.asarray(op, jnp.int32)
    opv = jnp.full((LANES,), op32, jnp.int32)
    cntf, cntb = _make_sc_counts()(edge_index.astype(jnp.int32), opv)
    el, aux = pl.pallas_call(
        _tc_a_body,
        out_shape=(jax.ShapeDtypeStruct((2, N), jnp.float32),
                   jax.ShapeDtypeStruct((3, D), jnp.float32)),
        in_specs=[pl.BlockSpec(memory_space=pltpu.SMEM),
                  pl.BlockSpec(memory_space=pltpu.SMEM)] +
                 [pl.BlockSpec()] * 7,
        compiler_params=pltpu.CompilerParams(skip_device_barrier=True),
        name="devnet_dense_tc_a",
    )(op32.reshape(1), parallel.astype(jnp.int32), feat,
      W_f, attn_l_f.reshape(1, D), attn_r_f.reshape(1, D),
      W_b, attn_l_b.reshape(1, D), attn_r_b.reshape(1, D))
    out4 = pl.pallas_call(
        _tc_b_body,
        out_shape=jax.ShapeDtypeStruct((4, D), jnp.float32),
        compiler_params=pltpu.CompilerParams(skip_device_barrier=True),
        name="devnet_dense_tc_b",
    )(el, aux, feat, cntf, cntb,
      W_f, bias_f.reshape(1, D), W_b, bias_b.reshape(1, D))
    return out4.reshape(4 * D)

# --- scband reference (transcript-rebuilt; emitter-appended) ---
"""Pipeline reference for scband-dev-net-63093069578584 (READ-ONLY COPY).

The authoritative reference and input builder live on the scoring server;
editing this copy changes nothing except your own understanding.
"""

import jax, jax.numpy as jnp
import numpy as np

N = 10000
E = 320000
D_IN = 128
D_OUT = 128
H = 1


def _gat_conv(feat, src, dst, W, attn_l, attn_r, bias):
    # DGL GATConv (allow_zero_in_degree=True, activation=None)
    h = (feat @ W).reshape(N, H, D_OUT)                      # fc projection
    el = jnp.sum(h * attn_l, axis=-1)                        # [N, H]
    er = jnp.sum(h * attn_r, axis=-1)                        # [N, H]
    e = jax.nn.leaky_relu(el[src] + er[dst], 0.2)            # [E, H]
    # edge softmax over incoming edges of each dst node
    m = jax.ops.segment_max(e, dst, num_segments=N)          # [N, H]
    m = jnp.where(jnp.isfinite(m), m, 0.0)
    ee = jnp.exp(e - m[dst])                                 # [E, H]
    den = jax.ops.segment_sum(ee, dst, num_segments=N)       # [N, H]
    alpha = ee / jnp.maximum(den[dst], 1e-16)                # [E, H]
    msg = h[src] * alpha[..., None]                          # [E, H, D]
    rst = jax.ops.segment_sum(msg, dst, num_segments=N)      # [N, H, D]
    return rst + bias.reshape(1, H, D_OUT)


def setup_inputs(seed: int = 0):
    key = jax.random.key(seed)
    ks = jax.random.split(key, 12)
    feat = jax.random.normal(ks[0], (N, D_IN), dtype=jnp.float32)
    edge_index = jax.random.randint(ks[1], (2, E), 0, N)
    parallel = jax.random.randint(ks[2], (64,), 0, N)
    op = 4999
    s = 0.1
    W_f = jax.random.normal(ks[3], (D_IN, H * D_OUT), dtype=jnp.float32) * s
    attn_l_f = jax.random.normal(ks[4], (H, D_OUT), dtype=jnp.float32) * s
    attn_r_f = jax.random.normal(ks[5], (H, D_OUT), dtype=jnp.float32) * s
    bias_f = jnp.zeros((H * D_OUT,), dtype=jnp.float32)
    W_b = jax.random.normal(ks[6], (D_IN, H * D_OUT), dtype=jnp.float32) * s
    attn_l_b = jax.random.normal(ks[7], (H, D_OUT), dtype=jnp.float32) * s
    attn_r_b = jax.random.normal(ks[8], (H, D_OUT), dtype=jnp.float32) * s
    bias_b = jnp.zeros((H * D_OUT,), dtype=jnp.float32)
    return {"feat": feat, "edge_index": edge_index, "op": op, "parallel": parallel,
            "W_f": W_f, "attn_l_f": attn_l_f, "attn_r_f": attn_r_f, "bias_f": bias_f,
            "W_b": W_b, "attn_l_b": attn_l_b, "attn_r_b": attn_r_b, "bias_b": bias_b}


def reference(feat, edge_index, op, parallel, W_f, attn_l_f, attn_r_f, bias_f,
              W_b, attn_l_b, attn_r_b, bias_b):
    src, dst = edge_index[0], edge_index[1]
    # forward direction GAT
    fh = jnp.mean(_gat_conv(feat, src, dst, W_f, attn_l_f, attn_r_f, bias_f), axis=1)[op]
    # backward direction: dgl.reverse swaps src and dst
    bh = jnp.mean(_gat_conv(feat, dst, src, W_b, attn_l_b, attn_r_b, bias_b), axis=1)[op]
    para = jnp.sum(feat[parallel], axis=0)
    return jnp.concatenate([fh, bh, feat[op], para])

if __name__ == "__main__":
    import jax
    _d = setup_inputs()
    print(jax.jit(kernel)(*tuple(_d.values())))

</pallas_src>

<mosaic_0001>
#map = affine_map<(d0, d1) -> (0, 0)>
#map1 = affine_map<(d0, d1) -> (0)>
module attributes {stable_mosaic.version = 14 : i64} {
  func.func @devnet_edge_counts_sc(%arg0: i32, %arg1: i32, %arg2: memref<2x320000xi32, #tpu.memory_space<hbm>>, %arg3: memref<16xi32, #tpu.memory_space<hbm>>, %arg4: memref<327680xf32, #tpu.memory_space<hbm>>, %arg5: memref<327680xf32, #tpu.memory_space<hbm>>, %arg6: memref<2x9984xi32, #tpu.memory_space<vmem>>, %arg7: memref<2x128xi32, #tpu.memory_space<vmem>>, %arg8: memref<10240xf32, #tpu.memory_space<vmem>>, %arg9: memref<10240xf32, #tpu.memory_space<vmem>>, %arg10: memref<16xi32, #tpu.memory_space<vmem>>, %arg11: memref<!tpu.dma_semaphore, #tpu.memory_space<semaphore_mem>>) attributes {dimension_semantics = [#tpu.dimension_semantics<core_parallel>, #tpu.dimension_semantics<subcore_parallel>], iteration_bounds = array<i64: 2, 16>, scalar_prefetch = 0 : i64, scratch_operands = 6 : i64, tpu.core_type = #tpu.core_type<sc_vector_subcore>, window_params = [{transform_indices = #map}, {transform_indices = #map1}, {transform_indices = #map1}, {transform_indices = #map1}]} {
    %mul3A = arith.constant 2 : i32
    %mul3A_0 = arith.muli %arg1, %mul3A : i32
    %add3A = arith.addi %mul3A_0, %arg0 : i32
    %mul3A_1 = arith.constant 9984 : i32
    %mul3A_2 = arith.muli %add3A, %mul3A_1 : i32
    %dma_start3A = arith.constant 0 : i32
    %dma_start3A_3 = tpu.memref_slice %arg2[%dma_start3A, %mul3A_2] : memref<2x320000xi32, #tpu.memory_space<hbm>> -> memref<2x9984xi32, #tpu.memory_space<hbm>>
    %dma_start3A_4 = arith.constant 0 : i32
    %dma_start3A_5 = tpu.memref_slice %arg2[%dma_start3A_4, %mul3A_2] : memref<2x320000xi32, #tpu.memory_space<hbm>> -> memref<2x9984xi32, #tpu.memory_space<hbm>>
    tpu.enqueue_dma source(%dma_start3A_5 : memref<2x9984xi32, #tpu.memory_space<hbm>>) target(%arg6 : memref<2x9984xi32, #tpu.memory_space<vmem>>) target_semaphore(%arg11 : memref<!tpu.dma_semaphore, #tpu.memory_space<semaphore_mem>>)
    tpu.enqueue_dma source(%arg3 : memref<16xi32, #tpu.memory_space<hbm>>) target(%arg10 : memref<16xi32, #tpu.memory_space<vmem>>) target_semaphore(%arg11 : memref<!tpu.dma_semaphore, #tpu.memory_space<semaphore_mem>>)
    %broadcast_in_dim3A = arith.constant 0.000000e+00 : f32
    %broadcast_in_dim3A_6 = vector.broadcast %broadcast_in_dim3A : f32 to vector<16xf32>
    %scan3A = arith.constant 0 : i32
    %scan3A_7 = arith.constant 0 : i32
    %scan3A_8 = arith.constant 640 : i32
    %scan3A_9 = arith.addi %scan3A_7, %scan3A_8 : i32
    %scan3A_10 = arith.constant 1 : i32
    scf.for %scan3A_38 = %scan3A_7 to %scan3A_9 step %scan3A_10  : i32 {
      %mul3A_39 = arith.constant 16 : i32
      %mul3A_40 = arith.muli %scan3A_38, %mul3A_39 : i32
      %swap3A = arith.index_cast %mul3A_40 : i32 to index
      %swap3A_41 = tpu.vector_load %arg8[%swap3A] {strides = array<i32>} : memref<10240xf32, #tpu.memory_space<vmem>>, vector<16xf32>,
      tpu.vector_store %arg8[%swap3A], %broadcast_in_dim3A_6 {strides = array<i32>} : memref<10240xf32, #tpu.memory_space<vmem>>, vector<16xf32>,
      %mul3A_42 = arith.constant 16 : i32
      %mul3A_43 = arith.muli %scan3A_38, %mul3A_42 : i32
      %swap3A_44 = arith.index_cast %mul3A_43 : i32 to index
      %swap3A_45 = tpu.vector_load %arg9[%swap3A_44] {strides = array<i32>} : memref<10240xf32, #tpu.memory_space<vmem>>, vector<16xf32>,
      tpu.vector_store %arg9[%swap3A_44], %broadcast_in_dim3A_6 {strides = array<i32>} : memref<10240xf32, #tpu.memory_space<vmem>>, vector<16xf32>,
    }
    %scan3A_11 = arith.constant 640 : i32
    %dma_wait3A = arith.constant 0 : i32
    %dma_wait3A_12 = tpu.memref_slice %arg2[%dma_wait3A, %mul3A_2] : memref<2x320000xi32, #tpu.memory_space<hbm>> -> memref<2x9984xi32, #tpu.memory_space<hbm>>
    %dma_wait3A_13 = arith.constant 0 : i32
    %dma_wait3A_14 = tpu.memref_slice %arg2[%dma_wait3A_13, %mul3A_2] : memref<2x320000xi32, #tpu.memory_space<hbm>> -> memref<2x9984xi32, #tpu.memory_space<hbm>>
    tpu.wait_dma2 semaphore(%arg11 : memref<!tpu.dma_semaphore, #tpu.memory_space<semaphore_mem>>) src(%dma_wait3A_14 : memref<2x9984xi32, #tpu.memory_space<hbm>>) dst(%arg6 : memref<2x9984xi32, #tpu.memory_space<vmem>>)
    tpu.wait_dma2 semaphore(%arg11 : memref<!tpu.dma_semaphore, #tpu.memory_space<semaphore_mem>>) src(%arg3 : memref<16xi32, #tpu.memory_space<hbm>>) dst(%arg10 : memref<16xi32, #tpu.memory_space<vmem>>)
    %get3A = arith.constant 0 : index
    %get3A_15 = tpu.vector_load %arg10[%get3A] {strides = array<i32>} : memref<16xi32, #tpu.memory_space<vmem>>, vector<16xi32>,
    %broadcast_in_dim3A_16 = arith.constant 1.000000e+00 : f32
    %broadcast_in_dim3A_17 = vector.broadcast %broadcast_in_dim3A_16 : f32 to vector<16xf32>
    %iota3A = tpu.iota {dimensions = array<i32: 0>} : vector<16xi32>
    %scan3A_18 = arith.constant 0 : i32
    %scan3A_19 = arith.constant 0 : i32
    %scan3A_20 = arith.constant 24 : i32
    %scan3A_21 = arith.addi %scan3A_19, %scan3A_20 : i32
    %scan3A_22 = arith.constant 1 : i32
    scf.for %scan3A_38 = %scan3A_19 to %scan3A_21 step %scan3A_22  : i32 {
      %mul3A_39 = arith.constant 416 : i32
      %mul3A_40 = arith.muli %scan3A_38, %mul3A_39 : i32
      %broadcast_in_dim3A_41 = arith.constant false
      %broadcast_in_dim3A_42 = vector.broadcast %broadcast_in_dim3A_41 : i1 to vector<16xi1>
      %add3A_43 = arith.constant 0 : i32
      %add3A_44 = arith.addi %mul3A_40, %add3A_43 : i32
      %get3A_45 = arith.constant 0 : i32
      %get3A_46 = arith.index_cast %get3A_45 : i32 to index
      %get3A_47 = arith.index_cast %add3A_44 : i32 to index
      %get3A_48 = tpu.vector_load %arg6[%get3A_46, %get3A_47] {strides = array<i32>} : memref<2x9984xi32, #tpu.memory_space<vmem>>, vector<16xi32>,
      %add3A_49 = arith.constant 0 : i32
      %add3A_50 = arith.addi %mul3A_40, %add3A_49 : i32
      %get3A_51 = arith.constant 1 : i32
      %get3A_52 = arith.index_cast %get3A_51 : i32 to index
      %get3A_53 = arith.index_cast %add3A_50 : i32 to index
      %get3A_54 = tpu.vector_load %arg6[%get3A_52, %get3A_53] {strides = array<i32>} : memref<2x9984xi32, #tpu.memory_space<vmem>>, vector<16xi32>,
      %eq3A = arith.cmpi eq, %get3A_48, %get3A_15 : vector<16xi32>
      %or3A = arith.ori %broadcast_in_dim3A_42, %eq3A : vector<16xi1>
      %eq3A_55 = arith.cmpi eq, %get3A_54, %get3A_15 : vector<16xi32>
      %or3A_56 = arith.ori %or3A, %eq3A_55 : vector<16xi1>
      %add3A_57 = arith.constant 16 : i32
      %add3A_58 = arith.addi %mul3A_40, %add3A_57 : i32
      %get3A_59 = arith.constant 0 : i32
      %get3A_60 = arith.index_cast %get3A_59 : i32 to index
      %get3A_61 = arith.index_cast %add3A_58 : i32 to index
      %get3A_62 = tpu.vector_load %arg6[%get3A_60, %get3A_61] {strides = array<i32>} : memref<2x9984xi32, #tpu.memory_space<vmem>>, vector<16xi32>,
      %add3A_63 = arith.constant 16 : i32
      %add3A_64 = arith.addi %mul3A_40, %add3A_63 : i32
      %get3A_65 = arith.constant 1 : i32
      %get3A_66 = arith.index_cast %get3A_65 : i32 to index
      %get3A_67 = arith.index_cast %add3A_64 : i32 to index
      %get3A_68 = tpu.vector_load %arg6[%get3A_66, %get3A_67] {strides = array<i32>} : memref<2x9984xi32, #tpu.memory_space<vmem>>, vector<16xi32>,
      %eq3A_69 = arith.cmpi eq, %get3A_62, %get3A_15 : vector<16xi32>
      %or3A_70 = arith.ori %or3A_56, %eq3A_69 : vector<16xi1>
      %eq3A_71 = arith.cmpi eq, %get3A_68, %get3A_15 : vector<16xi32>
      %or3A_72 = arith.ori %or3A_70, %eq3A_71 : vector<16xi1>
      %add3A_73 = arith.constant 32 : i32
      %add3A_74 = arith.addi %mul3A_40, %add3A_73 : i32
      %get3A_75 = arith.constant 0 : i32
      %get3A_76 = arith.index_cast %get3A_75 : i32 to index
      %get3A_77 = arith.index_cast %add3A_74 : i32 to index
      %get3A_78 = tpu.vector_load %arg6[%get3A_76, %get3A_77] {strides = array<i32>} : memref<2x9984xi32, #tpu.memory_space<vmem>>, vector<16xi32>,
      %add3A_79 = arith.constant 32 : i32
      %add3A_80 = arith.addi %mul3A_40, %add3A_79 : i32
      %get3A_81 = arith.constant 1 : i32
      %get3A_82 = arith.index_cast %get3A_81 : i32 to index
      %get3A_83 = arith.index_cast %add3A_80 : i32 to index
      %get3A_84 = tpu.vector_load %arg6[%get3A_82, %get3A_83] {strides = array<i32>} : memref<2x9984xi32, #tpu.memory_space<vmem>>, vector<16xi32>,
      %eq3A_85 = arith.cmpi eq, %get3A_78, %get3A_15 : vector<16xi32>
      %or3A_86 = arith.ori %or3A_72, %eq3A_85 : vector<16xi1>
      %eq3A_87 = arith.cmpi eq, %get3A_84, %get3A_15 : vector<16xi32>
      %or3A_88 = arith.ori %or3A_86, %eq3A_87 : vector<16xi1>
      %add3A_89 = arith.constant 48 : i32
      %add3A_90 = arith.addi %mul3A_40, %add3A_89 : i32
      %get3A_91 = arith.constant 0 : i32
      %get3A_92 = arith.index_cast %get3A_91 : i32 to index
      %get3A_93 = arith.index_cast %add3A_90 : i32 to index
      %get3A_94 = tpu.vector_load %arg6[%get3A_92, %get3A_93] {strides = array<i32>} : memref<2x9984xi32, #tpu.memory_space<vmem>>, vector<16xi32>,
      %add3A_95 = arith.constant 48 : i32
      %add3A_96 = arith.addi %mul3A_40, %add3A_95 : i32
      %get3A_97 = arith.constant 1 : i32
      %get3A_98 = arith.index_cast %get3A_97 : i32 to index
      %get3A_99 = arith.index_cast %add3A_96 : i32 to index
      %get3A_100 = tpu.vector_load %arg6[%get3A_98, %get3A_99] {strides = array<i32>} : memref<2x9984xi32, #tpu.memory_space<vmem>>, vector<16xi32>,
      %eq3A_101 = arith.cmpi eq, %get3A_94, %get3A_15 : vector<16xi32>
      %or3A_102 = arith.ori %or3A_88, %eq3A_101 : vector<16xi1>
      %eq3A_103 = arith.cmpi eq, %get3A_100, %get3A_15 : vector<16xi32>
      %or3A_104 = arith.ori %or3A_102, %eq3A_103 : vector<16xi1>
      %add3A_105 = arith.constant 64 : i32
      %add3A_106 = arith.addi %mul3A_40, %add3A_105 : i32
      %get3A_107 = arith.constant 0 : i32
      %get3A_108 = arith.index_cast %get3A_107 : i32 to index
      %get3A_109 = arith.index_cast %add3A_106 : i32 to index
      %get3A_110 = tpu.vector_load %arg6[%get3A_108, %get3A_109] {strides = array<i32>} : memref<2x9984xi32, #tpu.memory_space<vmem>>, vector<16xi32>,
      %add3A_111 = arith.constant 64 : i32
      %add3A_112 = arith.addi %mul3A_40, %add3A_111 : i32
      %get3A_113 = arith.constant 1 : i32
      %get3A_114 = arith.index_cast %get3A_113 : i32 to index
      %get3A_115 = arith.index_cast %add3A_112 : i32 to index
      %get3A_116 = tpu.vector_load %arg6[%get3A_114, %get3A_115] {strides = array<i32>} : memref<2x9984xi32, #tpu.memory_space<vmem>>, vector<16xi32>,
      %eq3A_117 = arith.cmpi eq, %get3A_110, %get3A_15 : vector<16xi32>
      %or3A_118 = arith.ori %or3A_104, %eq3A_117 : vector<16xi1>
      %eq3A_119 = arith.cmpi eq, %get3A_116, %get3A_15 : vector<16xi32>
      %or3A_120 = arith.ori %or3A_118, %eq3A_119 : vector<16xi1>
      %add3A_121 = arith.constant 80 : i32
      %add3A_122 = arith.addi %mul3A_40, %add3A_121 : i32
      %get3A_123 = arith.constant 0 : i32
      %get3A_124 = arith.index_cast %get3A_123 : i32 to index
      %get3A_125 = arith.index_cast %add3A_122 : i32 to index
      %get3A_126 = tpu.vector_load %arg6[%get3A_124, %get3A_125] {strides = array<i32>} : memref<2x9984xi32, #tpu.memory_space<vmem>>, vector<16xi32>,
      %add3A_127 = arith.constant 80 : i32
      %add3A_128 = arith.addi %mul3A_40, %add3A_127 : i32
      %get3A_129 = arith.constant 1 : i32
      %get3A_130 = arith.index_cast %get3A_129 : i32 to index
      %get3A_131 = arith.index_cast %add3A_128 : i32 to index
      %get3A_132 = tpu.vector_load %arg6[%get3A_130, %get3A_131] {strides = array<i32>} : memref<2x9984xi32, #tpu.memory_space<vmem>>, vector<16xi32>,
      %eq3A_133 = arith.cmpi eq, %get3A_126, %get3A_15 : vector<16xi32>
      %or3A_134 = arith.ori %or3A_120, %eq3A_133 : vector<16xi1>
      %eq3A_135 = arith.cmpi eq, %get3A_132, %get3A_15 : vector<16xi32>
      %or3A_136 = arith.ori %or3A_134, %eq3A_135 : vector<16xi1>
      %add3A_137 = arith.constant 96 : i32
      %add3A_138 = arith.addi %mul3A_40, %add3A_137 : i32
      %get3A_139 = arith.constant 0 : i32
      %get3A_140 = arith.index_cast %get3A_139 : i32 to index
      %get3A_141 = arith.index_cast %add3A_138 : i32 to index
      %get3A_142 = tpu.vector_load %arg6[%get3A_140, %get3A_141] {strides = array<i32>} : memref<2x9984xi32, #tpu.memory_space<vmem>>, vector<16xi32>,
      %add3A_143 = arith.constant 96 : i32
      %add3A_144 = arith.addi %mul3A_40, %add3A_143 : i32
      %get3A_145 = arith.constant 1 : i32
      %get3A_146 = arith.index_cast %get3A_145 : i32 to index
      %get3A_147 = arith.index_cast %add3A_144 : i32 to index
      %get3A_148 = tpu.vector_load %arg6[%get3A_146, %get3A_147] {strides = array<i32>} : memref<2x9984xi32, #tpu.memory_space<vmem>>, vector<16xi32>,
      %eq3A_149 = arith.cmpi eq, %get3A_142, %get3A_15 : vector<16xi32>
      %or3A_150 = arith.ori %or3A_136, %eq3A_149 : vector<16xi1>
      %eq3A_151 = arith.cmpi eq, %get3A_148, %get3A_15 : vector<16xi32>
      %or3A_152 = arith.ori %or3A_150, %eq3A_151 : vector<16xi1>
      %add3A_153 = arith.constant 112 : i32
      %add3A_154 = arith.addi %mul3A_40, %add3A_153 : i32
      %get3A_155 = arith.constant 0 : i32
      %get3A_156 = arith.index_cast %get3A_155 : i32 to index
      %get3A_157 = arith.index_cast %add3A_154 : i32 to index
      %get3A_158 = tpu.vector_load %arg6[%get3A_156, %get3A_157] {strides = array<i32>} : memref<2x9984xi32, #tpu.memory_space<vmem>>, vector<16xi32>,
      %add3A_159 = arith.constant 112 : i32
      %add3A_160 = arith.addi %mul3A_40, %add3A_159 : i32
      %get3A_161 = arith.constant 1 : i32
      %get3A_162 = arith.index_cast %get3A_161 : i32 to index
      %get3A_163 = arith.index_cast %add3A_160 : i32 to index
      %get3A_164 = tpu.vector_load %arg6[%get3A_162, %get3A_163] {strides = array<i32>} : memref<2x9984xi32, #tpu.memory_space<vmem>>, vector<16xi32>,
      %eq3A_165 = arith.cmpi eq, %get3A_158, %get3A_15 : vector<16xi32>
      %or3A_166 = arith.ori %or3A_152, %eq3A_165 : vector<16xi1>
      %eq3A_167 = arith.cmpi eq, %get3A_164, %get3A_15 : vector<16xi32>
      %or3A_168 = arith.ori %or3A_166, %eq3A_167 : vector<16xi1>
      %add3A_169 = arith.constant 128 : i32
      %add3A_170 = arith.addi %mul3A_40, %add3A_169 : i32
      %get3A_171 = arith.constant 0 : i32
      %get3A_172 = arith.index_cast %get3A_171 : i32 to index
      %get3A_173 = arith.index_cast %add3A_170 : i32 to index
      %get3A_174 = tpu.vector_load %arg6[%get3A_172, %get3A_173] {strides = array<i32>} : memref<2x9984xi32, #tpu.memory_space<vmem>>, vector<16xi32>,
      %add3A_175 = arith.constant 128 : i32
      %add3A_176 = arith.addi %mul3A_40, %add3A_175 : i32
      %get3A_177 = arith.constant 1 : i32
      %get3A_178 = arith.index_cast %get3A_177 : i32 to index
      %get3A_179 = arith.index_cast %add3A_176 : i32 to index
      %get3A_180 = tpu.vector_load %arg6[%get3A_178, %get3A_179] {strides = array<i32>} : memref<2x9984xi32, #tpu.memory_space<vmem>>, vector<16xi32>,
      %eq3A_181 = arith.cmpi eq, %get3A_174, %get3A_15 : vector<16xi32>
      %or3A_182 = arith.ori %or3A_168, %eq3A_181 : vector<16xi1>
      %eq3A_183 = arith.cmpi eq, %get3A_180, %get3A_15 : vector<16xi32>
      %or3A_184 = arith.ori %or3A_182, %eq3A_183 : vector<16xi1>
      %add3A_185 = arith.constant 144 : i32
      %add3A_186 = arith.addi %mul3A_40, %add3A_185 : i32
      %get3A_187 = arith.constant 0 : i32
      %get3A_188 = arith.index_cast %get3A_187 : i32 to index
      %get3A_189 = arith.index_cast %add3A_186 : i32 to index
      %get3A_190 = tpu.vector_load %arg6[%get3A_188, %get3A_189] {strides = array<i32>} : memref<2x9984xi32, #tpu.memory_space<vmem>>, vector<16xi32>,
      %add3A_191 = arith.constant 144 : i32
      %add3A_192 = arith.addi %mul3A_40, %add3A_191 : i32
      %get3A_193 = arith.constant 1 : i32
      %get3A_194 = arith.index_cast %get3A_193 : i32 to index
      %get3A_195 = arith.index_cast %add3A_192 : i32 to index
      %get3A_196 = tpu.vector_load %arg6[%get3A_194, %get3A_195] {strides = array<i32>} : memref<2x9984xi32, #tpu.memory_space<vmem>>, vector<16xi32>,
      %eq3A_197 = arith.cmpi eq, %get3A_190, %get3A_15 : vector<16xi32>
      %or3A_198 = arith.ori %or3A_184, %eq3A_197 : vector<16xi1>
      %eq3A_199 = arith.cmpi eq, %get3A_196, %get3A_15 : vector<16xi32>
      %or3A_200 = arith.ori %or3A_198, %eq3A_199 : vector<16xi1>
      %add3A_201 = arith.constant 160 : i32
      %add3A_202 = arith.addi %mul3A_40, %add3A_201 : i32
      %get3A_203 = arith.constant 0 : i32
      %get3A_204 = arith.index_cast %get3A_203 : i32 to index
      %get3A_205 = arith.index_cast %add3A_202 : i32 to index
      %get3A_206 = tpu.vector_load %arg6[%get3A_204, %get3A_205] {strides = array<i32>} : memref<2x9984xi32, #tpu.memory_space<vmem>>, vector<16xi32>,
      %add3A_207 = arith.constant 160 : i32
      %add3A_208 = arith.addi %mul3A_40, %add3A_207 : i32
      %get3A_209 = arith.constant 1 : i32
      %get3A_210 = arith.index_cast %get3A_209 : i32 to index
      %get3A_211 = arith.index_cast %add3A_208 : i32 to index
      %get3A_212 = tpu.vector_load %arg6[%get3A_210, %get3A_211] {strides = array<i32>} : memref<2x9984xi32, #tpu.memory_space<vmem>>, vector<16xi32>,
      %eq3A_213 = arith.cmpi eq, %get3A_206, %get3A_15 : vector<16xi32>
      %or3A_214 = arith.ori %or3A_200, %eq3A_213 : vector<16xi1>
      %eq3A_215 = arith.cmpi eq, %get3A_212, %get3A_15 : vector<16xi32>
      %or3A_216 = arith.ori %or3A_214, %eq3A_215 : vector<16xi1>
      %add3A_217 = arith.constant 176 : i32
      %add3A_218 = arith.addi %mul3A_40, %add3A_217 : i32
      %get3A_219 = arith.constant 0 : i32
      %get3A_220 = arith.index_cast %get3A_219 : i32 to index
      %get3A_221 = arith.index_cast %add3A_218 : i32 to index
      %get3A_222 = tpu.vector_load %arg6[%get3A_220, %get3A_221] {strides = array<i32>} : memref<2x9984xi32, #tpu.memory_space<vmem>>, vector<16xi32>,
      %add3A_223 = arith.constant 176 : i32
      %add3A_224 = arith.addi %mul3A_40, %add3A_223 : i32
      %get3A_225 = arith.constant 1 : i32
      %get3A_226 = arith.index_cast %get3A_225 : i32 to index
      %get3A_227 = arith.index_cast %add3A_224 : i32 to index
      %get3A_228 = tpu.vector_load %arg6[%get3A_226, %get3A_227] {strides = array<i32>} : memref<2x9984xi32, #tpu.memory_space<vmem>>, vector<16xi32>,
      %eq3A_229 = arith.cmpi eq, %get3A_222, %get3A_15 : vector<16xi32>
      %or3A_230 = arith.ori %or3A_216, %eq3A_229 : vector<16xi1>
      %eq3A_231 = arith.cmpi eq, %get3A_228, %get3A_15 : vector<16xi32>
      %or3A_232 = arith.ori %or3A_230, %eq3A_231 : vector<16xi1>
      %add3A_233 = arith.constant 192 : i32
      %add3A_234 = arith.addi %mul3A_40, %add3A_233 : i32
      %get3A_235 = arith.constant 0 : i32
      %get3A_236 = arith.index_cast %get3A_235 : i32 to index
      %get3A_237 = arith.index_cast %add3A_234 : i32 to index
      %get3A_238 = tpu.vector_load %arg6[%get3A_236, %get3A_237] {strides = array<i32>} : memref<2x9984xi32, #tpu.memory_space<vmem>>, vector<16xi32>,
      %add3A_239 = arith.constant 192 : i32
      %add3A_240 = arith.addi %mul3A_40, %add3A_239 : i32
      %get3A_241 = arith.constant 1 : i32
      %get3A_242 = arith.index_cast %get3A_241 : i32 to index
      %get3A_243 = arith.index_cast %add3A_240 : i32 to index
      %get3A_244 = tpu.vector_load %arg6[%get3A_242, %get3A_243] {strides = array<i32>} : memref<2x9984xi32, #tpu.memory_space<vmem>>, vector<16xi32>,
      %eq3A_245 = arith.cmpi eq, %get3A_238, %get3A_15 : vector<16xi32>
      %or3A_246 = arith.ori %or3A_232, %eq3A_245 : vector<16xi1>
      %eq3A_247 = arith.cmpi eq, %get3A_244, %get3A_15 : vector<16xi32>
      %or3A_248 = arith.ori %or3A_246, %eq3A_247 : vector<16xi1>
      %add3A_249 = arith.constant 208 : i32
      %add3A_250 = arith.addi %mul3A_40, %add3A_249 : i32
      %get3A_251 = arith.constant 0 : i32
      %get3A_252 = arith.index_cast %get3A_251 : i32 to index
      %get3A_253 = arith.index_cast %add3A_250 : i32 to index
      %get3A_254 = tpu.vector_load %arg6[%get3A_252, %get3A_253] {strides = array<i32>} : memref<2x9984xi32, #tpu.memory_space<vmem>>, vector<16xi32>,
      %add3A_255 = arith.constant 208 : i32
      %add3A_256 = arith.addi %mul3A_40, %add3A_255 : i32
      %get3A_257 = arith.constant 1 : i32
      %get3A_258 = arith.index_cast %get3A_257 : i32 to index
      %get3A_259 = arith.index_cast %add3A_256 : i32 to index
      %get3A_260 = tpu.vector_load %arg6[%get3A_258, %get3A_259] {strides = array<i32>} : memref<2x9984xi32, #tpu.memory_space<vmem>>, vector<16xi32>,
      %eq3A_261 = arith.cmpi eq, %get3A_254, %get3A_15 : vector<16xi32>
      %or3A_262 = arith.ori %or3A_248, %eq3A_261 : vector<16xi1>
      %eq3A_263 = arith.cmpi eq, %get3A_260, %get3A_15 : vector<16xi32>
      %or3A_264 = arith.ori %or3A_262, %eq3A_263 : vector<16xi1>
      %add3A_265 = arith.constant 224 : i32
      %add3A_266 = arith.addi %mul3A_40, %add3A_265 : i32
      %get3A_267 = arith.constant 0 : i32
      %get3A_268 = arith.index_cast %get3A_267 : i32 to index
      %get3A_269 = arith.index_cast %add3A_266 : i32 to index
      %get3A_270 = tpu.vector_load %arg6[%get3A_268, %get3A_269] {strides = array<i32>} : memref<2x9984xi32, #tpu.memory_space<vmem>>, vector<16xi32>,
      %add3A_271 = arith.constant 224 : i32
      %add3A_272 = arith.addi %mul3A_40, %add3A_271 : i32
      %get3A_273 = arith.constant 1 : i32
      %get3A_274 = arith.index_cast %get3A_273 : i32 to index
      %get3A_275 = arith.index_cast %add3A_272 : i32 to index
      %get3A_276 = tpu.vector_load %arg6[%get3A_274, %get3A_275] {strides = array<i32>} : memref<2x9984xi32, #tpu.memory_space<vmem>>, vector<16xi32>,
      %eq3A_277 = arith.cmpi eq, %get3A_270, %get3A_15 : vector<16xi32>
      %or3A_278 = arith.ori %or3A_264, %eq3A_277 : vector<16xi1>
      %eq3A_279 = arith.cmpi eq, %get3A_276, %get3A_15 : vector<16xi32>
      %or3A_280 = arith.ori %or3A_278, %eq3A_279 : vector<16xi1>
      %add3A_281 = arith.constant 240 : i32
      %add3A_282 = arith.addi %mul3A_40, %add3A_281 : i32
      %get3A_283 = arith.constant 0 : i32
      %get3A_284 = arith.index_cast %get3A_283 : i32 to index
      %get3A_285 = arith.index_cast %add3A_282 : i32 to index
      %get3A_286 = tpu.vector_load %arg6[%get3A_284, %get3A_285] {strides = array<i32>} : memref<2x9984xi32, #tpu.memory_space<vmem>>, vector<16xi32>,
      %add3A_287 = arith.constant 240 : i32
      %add3A_288 = arith.addi %mul3A_40, %add3A_287 : i32
      %get3A_289 = arith.constant 1 : i32
      %get3A_290 = arith.index_cast %get3A_289 : i32 to index
      %get3A_291 = arith.index_cast %add3A_288 : i32 to index
      %get3A_292 = tpu.vector_load %arg6[%get3A_290, %get3A_291] {strides = array<i32>} : memref<2x9984xi32, #tpu.memory_space<vmem>>, vector<16xi32>,
      %eq3A_293 = arith.cmpi eq, %get3A_286, %get3A_15 : vector<16xi32>
      %or3A_294 = arith.ori %or3A_280, %eq3A_293 : vector<16xi1>
      %eq3A_295 = arith.cmpi eq, %get3A_292, %get3A_15 : vector<16xi32>
      %or3A_296 = arith.ori %or3A_294, %eq3A_295 : vector<16xi1>
      %add3A_297 = arith.constant 256 : i32
      %add3A_298 = arith.addi %mul3A_40, %add3A_297 : i32
      %get3A_299 = arith.constant 0 : i32
      %get3A_300 = arith.index_cast %get3A_299 : i32 to index
      %get3A_301 = arith.index_cast %add3A_298 : i32 to index
      %get3A_302 = tpu.vector_load %arg6[%get3A_300, %get3A_301] {strides = array<i32>} : memref<2x9984xi32, #tpu.memory_space<vmem>>, vector<16xi32>,
      %add3A_303 = arith.constant 256 : i32
      %add3A_304 = arith.addi %mul3A_40, %add3A_303 : i32
      %get3A_305 = arith.constant 1 : i32
      %get3A_306 = arith.index_cast %get3A_305 : i32 to index
      %get3A_307 = arith.index_cast %add3A_304 : i32 to index
      %get3A_308 = tpu.vector_load %arg6[%get3A_306, %get3A_307] {strides = array<i32>} : memref<2x9984xi32, #tpu.memory_space<vmem>>, vector<16xi32>,
      %eq3A_309 = arith.cmpi eq, %get3A_302, %get3A_15 : vector<16xi32>
      %or3A_310 = arith.ori %or3A_296, %eq3A_309 : vector<16xi1>
      %eq3A_311 = arith.cmpi eq, %get3A_308, %get3A_15 : vector<16xi32>
      %or3A_312 = arith.ori %or3A_310, %eq3A_311 : vector<16xi1>
      %add3A_313 = arith.constant 272 : i32
      %add3A_314 = arith.addi %mul3A_40, %add3A_313 : i32
      %get3A_315 = arith.constant 0 : i32
      %get3A_316 = arith.index_cast %get3A_315 : i32 to index
      %get3A_317 = arith.index_cast %add3A_314 : i32 to index
      %get3A_318 = tpu.vector_load %arg6[%get3A_316, %get3A_317] {strides = array<i32>} : memref<2x9984xi32, #tpu.memory_space<vmem>>, vector<16xi32>,
      %add3A_319 = arith.constant 272 : i32
      %add3A_320 = arith.addi %mul3A_40, %add3A_319 : i32
      %get3A_321 = arith.constant 1 : i32
      %get3A_322 = arith.index_cast %get3A_321 : i32 to index
      %get3A_323 = arith.index_cast %add3A_320 : i32 to index
      %get3A_324 = tpu.vector_load %arg6[%get3A_322, %get3A_323] {strides = array<i32>} : memref<2x9984xi32, #tpu.memory_space<vmem>>, vector<16xi32>,
      %eq3A_325 = arith.cmpi eq, %get3A_318, %get3A_15 : vector<16xi32>
      %or3A_326 = arith.ori %or3A_312, %eq3A_325 : vector<16xi1>
      %eq3A_327 = arith.cmpi eq, %get3A_324, %get3A_15 : vector<16xi32>
      %or3A_328 = arith.ori %or3A_326, %eq3A_327 : vector<16xi1>
      %add3A_329 = arith.constant 288 : i32
      %add3A_330 = arith.addi %mul3A_40, %add3A_329 : i32
      %get3A_331 = arith.constant 0 : i32
      %get3A_332 = arith.index_cast %get3A_331 : i32 to index
      %get3A_333 = arith.index_cast %add3A_330 : i32 to index
      %get3A_334 = tpu.vector_load %arg6[%get3A_332, %get3A_333] {strides = array<i32>} : memref<2x9984xi32, #tpu.memory_space<vmem>>, vector<16xi32>,
      %add3A_335 = arith.constant 288 : i32
      %add3A_336 = arith.addi %mul3A_40, %add3A_335 : i32
      %get3A_337 = arith.constant 1 : i32
      %get3A_338 = arith.index_cast %get3A_337 : i32 to index
      %get3A_339 = arith.index_cast %add3A_336 : i32 to index
      %get3A_340 = tpu.vector_load %arg6[%get3A_338, %get3A_339] {strides = array<i32>} : memref<2x9984xi32, #tpu.memory_space<vmem>>, vector<16xi32>,
      %eq3A_341 = arith.cmpi eq, %get3A_334, %get3A_15 : vector<16xi32>
      %or3A_342 = arith.ori %or3A_328, %eq3A_341 : vector<16xi1>
      %eq3A_343 = arith.cmpi eq, %get3A_340, %get3A_15 : vector<16xi32>
      %or3A_344 = arith.ori %or3A_342, %eq3A_343 : vector<16xi1>
      %add3A_345 = arith.constant 304 : i32
      %add3A_346 = arith.addi %mul3A_40, %add3A_345 : i32
      %get3A_347 = arith.constant 0 : i32
      %get3A_348 = arith.index_cast %get3A_347 : i32 to index
      %get3A_349 = arith.index_cast %add3A_346 : i32 to index
      %get3A_350 = tpu.vector_load %arg6[%get3A_348, %get3A_349] {strides = array<i32>} : memref<2x9984xi32, #tpu.memory_space<vmem>>, vector<16xi32>,
      %add3A_351 = arith.constant 304 : i32
      %add3A_352 = arith.addi %mul3A_40, %add3A_351 : i32
      %get3A_353 = arith.constant 1 : i32
      %get3A_354 = arith.index_cast %get3A_353 : i32 to index
      %get3A_355 = arith.index_cast %add3A_352 : i32 to index
      %get3A_356 = tpu.vector_load %arg6[%get3A_354, %get3A_355] {strides = array<i32>} : memref<2x9984xi32, #tpu.memory_space<vmem>>, vector<16xi32>,
      %eq3A_357 = arith.cmpi eq, %get3A_350, %get3A_15 : vector<16xi32>
      %or3A_358 = arith.ori %or3A_344, %eq3A_357 : vector<16xi1>
      %eq3A_359 = arith.cmpi eq, %get3A_356, %get3A_15 : vector<16xi32>
      %or3A_360 = arith.ori %or3A_358, %eq3A_359 : vector<16xi1>
      %add3A_361 = arith.constant 320 : i32
      %add3A_362 = arith.addi %mul3A_40, %add3A_361 : i32
      %get3A_363 = arith.constant 0 : i32
      %get3A_364 = arith.index_cast %get3A_363 : i32 to index
      %get3A_365 = arith.index_cast %add3A_362 : i32 to index
      %get3A_366 = tpu.vector_load %arg6[%get3A_364, %get3A_365] {strides = array<i32>} : memref<2x9984xi32, #tpu.memory_space<vmem>>, vector<16xi32>,
      %add3A_367 = arith.constant 320 : i32
      %add3A_368 = arith.addi %mul3A_40, %add3A_367 : i32
      %get3A_369 = arith.constant 1 : i32
      %get3A_370 = arith.index_cast %get3A_369 : i32 to index
      %get3A_371 = arith.index_cast %add3A_368 : i32 to index
      %get3A_372 = tpu.vector_load %arg6[%get3A_370, %get3A_371] {strides = array<i32>} : memref<2x9984xi32, #tpu.memory_space<vmem>>, vector<16xi32>,
      %eq3A_373 = arith.cmpi eq, %get3A_366, %get3A_15 : vector<16xi32>
      %or3A_374 = arith.ori %or3A_360, %eq3A_373 : vector<16xi1>
      %eq3A_375 = arith.cmpi eq, %get3A_372, %get3A_15 : vector<16xi32>
      %or3A_376 = arith.ori %or3A_374, %eq3A_375 : vector<16xi1>
      %add3A_377 = arith.constant 336 : i32
      %add3A_378 = arith.addi %mul3A_40, %add3A_377 : i32
      %get3A_379 = arith.constant 0 : i32
      %get3A_380 = arith.index_cast %get3A_379 : i32 to index
      %get3A_381 = arith.index_cast %add3A_378 : i32 to index
      %get3A_382 = tpu.vector_load %arg6[%get3A_380, %get3A_381] {strides = array<i32>} : memref<2x9984xi32, #tpu.memory_space<vmem>>, vector<16xi32>,
      %add3A_383 = arith.constant 336 : i32
      %add3A_384 = arith.addi %mul3A_40, %add3A_383 : i32
      %get3A_385 = arith.constant 1 : i32
      %get3A_386 = arith.index_cast %get3A_385 : i32 to index
      %get3A_387 = arith.index_cast %add3A_384 : i32 to index
      %get3A_388 = tpu.vector_load %arg6[%get3A_386, %get3A_387] {strides = array<i32>} : memref<2x9984xi32, #tpu.memory_space<vmem>>, vector<16xi32>,
      %eq3A_389 = arith.cmpi eq, %get3A_382, %get3A_15 : vector<16xi32>
      %or3A_390 = arith.ori %or3A_376, %eq3A_389 : vector<16xi1>
      %eq3A_391 = arith.cmpi eq, %get3A_388, %get3A_15 : vector<16xi32>
      %or3A_392 = arith.ori %or3A_390, %eq3A_391 : vector<16xi1>
      %add3A_393 = arith.constant 352 : i32
      %add3A_394 = arith.addi %mul3A_40, %add3A_393 : i32
      %get3A_395 = arith.constant 0 : i32
      %get3A_396 = arith.index_cast %get3A_395 : i32 to index
      %get3A_397 = arith.index_cast %add3A_394 : i32 to index
      %get3A_398 = tpu.vector_load %arg6[%get3A_396, %get3A_397] {strides = array<i32>} : memref<2x9984xi32, #tpu.memory_space<vmem>>, vector<16xi32>,
      %add3A_399 = arith.constant 352 : i32
      %add3A_400 = arith.addi %mul3A_40, %add3A_399 : i32
      %get3A_401 = arith.constant 1 : i32
      %get3A_402 = arith.index_cast %get3A_401 : i32 to index
      %get3A_403 = arith.index_cast %add3A_400 : i32 to index
      %get3A_404 = tpu.vector_load %arg6[%get3A_402, %get3A_403] {strides = array<i32>} : memref<2x9984xi32, #tpu.memory_space<vmem>>, vector<16xi32>,
      %eq3A_405 = arith.cmpi eq, %get3A_398, %get3A_15 : vector<16xi32>
      %or3A_406 = arith.ori %or3A_392, %eq3A_405 : vector<16xi1>
      %eq3A_407 = arith.cmpi eq, %get3A_404, %get3A_15 : vector<16xi32>
      %or3A_408 = arith.ori %or3A_406, %eq3A_407 : vector<16xi1>
      %add3A_409 = arith.constant 368 : i32
      %add3A_410 = arith.addi %mul3A_40, %add3A_409 : i32
      %get3A_411 = arith.constant 0 : i32
      %get3A_412 = arith.index_cast %get3A_411 : i32 to index
      %get3A_413 = arith.index_cast %add3A_410 : i32 to index
      %get3A_414 = tpu.vector_load %arg6[%get3A_412, %get3A_413] {strides = array<i32>} : memref<2x9984xi32, #tpu.memory_space<vmem>>, vector<16xi32>,
      %add3A_415 = arith.constant 368 : i32
      %add3A_416 = arith.addi %mul3A_40, %add3A_415 : i32
      %get3A_417 = arith.constant 1 : i32
      %get3A_418 = arith.index_cast %get3A_417 : i32 to index
      %get3A_419 = arith.index_cast %add3A_416 : i32 to index
      %get3A_420 = tpu.vector_load %arg6[%get3A_418, %get3A_419] {strides = array<i32>} : memref<2x9984xi32, #tpu.memory_space<vmem>>, vector<16xi32>,
      %eq3A_421 = arith.cmpi eq, %get3A_414, %get3A_15 : vector<16xi32>
      %or3A_422 = arith.ori %or3A_408, %eq3A_421 : vector<16xi1>
      %eq3A_423 = arith.cmpi eq, %get3A_420, %get3A_15 : vector<16xi32>
      %or3A_424 = arith.ori %or3A_422, %eq3A_423 : vector<16xi1>
      %add3A_425 = arith.constant 384 : i32
      %add3A_426 = arith.addi %mul3A_40, %add3A_425 : i32
      %get3A_427 = arith.constant 0 : i32
      %get3A_428 = arith.index_cast %get3A_427 : i32 to index
      %get3A_429 = arith.index_cast %add3A_426 : i32 to index
      %get3A_430 = tpu.vector_load %arg6[%get3A_428, %get3A_429] {strides = array<i32>} : memref<2x9984xi32, #tpu.memory_space<vmem>>, vector<16xi32>,
      %add3A_431 = arith.constant 384 : i32
      %add3A_432 = arith.addi %mul3A_40, %add3A_431 : i32
      %get3A_433 = arith.constant 1 : i32
      %get3A_434 = arith.index_cast %get3A_433 : i32 to index
      %get3A_435 = arith.index_cast %add3A_432 : i32 to index
      %get3A_436 = tpu.vector_load %arg6[%get3A_434, %get3A_435] {strides = array<i32>} : memref<2x9984xi32, #tpu.memory_space<vmem>>, vector<16xi32>,
      %eq3A_437 = arith.cmpi eq, %get3A_430, %get3A_15 : vector<16xi32>
      %or3A_438 = arith.ori %or3A_424, %eq3A_437 : vector<16xi1>
      %eq3A_439 = arith.cmpi eq, %get3A_436, %get3A_15 : vector<16xi32>
      %or3A_440 = arith.ori %or3A_438, %eq3A_439 : vector<16xi1>
      %add3A_441 = arith.constant 400 : i32
      %add3A_442 = arith.addi %mul3A_40, %add3A_441 : i32
      %get3A_443 = arith.constant 0 : i32
      %get3A_444 = arith.index_cast %get3A_443 : i32 to index
      %get3A_445 = arith.index_cast %add3A_442 : i32 to index
      %get3A_446 = tpu.vector_load %arg6[%get3A_444, %get3A_445] {strides = array<i32>} : memref<2x9984xi32, #tpu.memory_space<vmem>>, vector<16xi32>,
      %add3A_447 = arith.constant 400 : i32
      %add3A_448 = arith.addi %mul3A_40, %add3A_447 : i32
      %get3A_449 = arith.constant 1 : i32
      %get3A_450 = arith.index_cast %get3A_449 : i32 to index
      %get3A_451 = arith.index_cast %add3A_448 : i32 to index
      %get3A_452 = tpu.vector_load %arg6[%get3A_450, %get3A_451] {strides = array<i32>} : memref<2x9984xi32, #tpu.memory_space<vmem>>, vector<16xi32>,
      %eq3A_453 = arith.cmpi eq, %get3A_446, %get3A_15 : vector<16xi32>
      %or3A_454 = arith.ori %or3A_440, %eq3A_453 : vector<16xi1>
      %eq3A_455 = arith.cmpi eq, %get3A_452, %get3A_15 : vector<16xi32>
      %or3A_456 = arith.ori %or3A_454, %eq3A_455 : vector<16xi1>
      %convert_element_type3A_457 = arith.extui %or3A_456 : vector<16xi1> to vector<16xi32>
      %reduce_sum3A = arith.constant true
      %reduce_sum3A_458 = vector.broadcast %reduce_sum3A : i1 to vector<16xi1>
      %reduce_sum3A_459 = tpu.scan <sum>, %convert_element_type3A_457 masked %reduce_sum3A_458 : vector<16xi32>, vector<16xi1> -> vector<16xi32>
      %reduce_sum3A_460 = vector.extract %reduce_sum3A_459[15] : i32 from vector<16xi32>
      %gt3A = arith.constant 0 : i32
      %gt3A_461 = arith.cmpi sgt, %reduce_sum3A_460, %gt3A : i32
      %convert_element_type3A_462 = arith.extui %gt3A_461 : i1 to i32
      %cond3A_463 = arith.constant 0 : i32
      %cond3A_464 = arith.cmpi ne, %convert_element_type3A_462, %cond3A_463 : i32
      scf.if %cond3A_464 {
        %scan3A_465 = arith.constant 0 : i32
        %scan3A_466 = arith.constant 0 : i32
        %scan3A_467 = arith.constant 26 : i32
        %scan3A_468 = arith.addi %scan3A_466, %scan3A_467 : i32
        %scan3A_469 = arith.constant 1 : i32
        scf.for %scan3A_471 = %scan3A_466 to %scan3A_468 step %scan3A_469  : i32 {
          %mul3A_472 = arith.constant 16 : i32
          %mul3A_473 = arith.muli %scan3A_471, %mul3A_472 : i32
          %add3A_474 = arith.addi %mul3A_40, %mul3A_473 : i32
          %get3A_475 = arith.constant 0 : i32
          %get3A_476 = arith.index_cast %get3A_475 : i32 to index
          %get3A_477 = arith.index_cast %add3A_474 : i32 to index
          %get3A_478 = tpu.vector_load %arg6[%get3A_476, %get3A_477] {strides = array<i32>} : memref<2x9984xi32, #tpu.memory_space<vmem>>, vector<16xi32>,
          %get3A_479 = arith.constant 1 : i32
          %get3A_480 = arith.index_cast %get3A_479 : i32 to index
          %get3A_481 = arith.index_cast %add3A_474 : i32 to index
          %get3A_482 = tpu.vector_load %arg6[%get3A_480, %get3A_481] {strides = array<i32>} : memref<2x9984xi32, #tpu.memory_space<vmem>>, vector<16xi32>,
          %eq3A_483 = arith.cmpi eq, %get3A_482, %get3A_15 : vector<16xi32>
          %eq3A_484 = arith.cmpi eq, %get3A_478, %get3A_15 : vector<16xi32>
          %or3A_485 = arith.ori %eq3A_483, %eq3A_484 : vector<16xi1>
          %convert_element_type3A_486 = arith.extui %or3A_485 : vector<16xi1> to vector<16xi32>
          %reduce_sum3A_487 = arith.constant true
          %reduce_sum3A_488 = vector.broadcast %reduce_sum3A_487 : i1 to vector<16xi1>
          %reduce_sum3A_489 = tpu.scan <sum>, %convert_element_type3A_486 masked %reduce_sum3A_488 : vector<16xi32>, vector<16xi1> -> vector<16xi32>
          %reduce_sum3A_490 = vector.extract %reduce_sum3A_489[15] : i32 from vector<16xi32>
          %gt3A_491 = arith.constant 0 : i32
          %gt3A_492 = arith.cmpi sgt, %reduce_sum3A_490, %gt3A_491 : i32
          %convert_element_type3A_493 = arith.extui %gt3A_492 : i1 to i32
          %cond3A_494 = arith.constant 0 : i32
          %cond3A_495 = arith.cmpi ne, %convert_element_type3A_493, %cond3A_494 : i32
          scf.if %cond3A_495 {
            %scan3A_496 = arith.constant 0 : i32
            %scan3A_497 = arith.constant 0 : i32
            %scan3A_498 = arith.constant 16 : i32
            %scan3A_499 = arith.addi %scan3A_497, %scan3A_498 : i32
            %scan3A_500 = arith.constant 1 : i32
            scf.for %scan3A_502 = %scan3A_497 to %scan3A_499 step %scan3A_500  : i32 {
              %eq3A_503 = vector.broadcast %scan3A_502 : i32 to vector<16xi32>
              %eq3A_504 = arith.cmpi eq, %iota3A, %eq3A_503 : vector<16xi32>
              %and3A = arith.andi %eq3A_483, %eq3A_504 : vector<16xi1>
              tpu.vector_store_idx %arg8[%get3A_478], %broadcast_in_dim3A_17 masked %and3A {add = true} : memref<10240xf32, #tpu.memory_space<vmem>>[vector<16xi32>], vector<16xf32>, vector<16xi1>
              %and3A_505 = arith.andi %eq3A_484, %eq3A_504 : vector<16xi1>
              tpu.vector_store_idx %arg9[%get3A_482], %broadcast_in_dim3A_17 masked %and3A_505 {add = true} : memref<10240xf32, #tpu.memory_space<vmem>>[vector<16xi32>], vector<16xf32>, vector<16xi1>
            }
            %scan3A_501 = arith.constant 16 : i32
          } else {
          }
        }
        %scan3A_470 = arith.constant 26 : i32
      } else {
      }
    }
    %scan3A_23 = arith.constant 24 : i32
    %lt3A = arith.constant 4 : i32
    %lt3A_24 = arith.cmpi slt, %add3A, %lt3A : i32
    %convert_element_type3A = arith.extui %lt3A_24 : i1 to i32
    %cond3A = arith.constant 0 : i32
    %cond3A_25 = arith.cmpi ne, %convert_element_type3A, %cond3A : i32
    scf.if %cond3A_25 {
      %mul3A_38 = arith.constant 128 : i32
      %mul3A_39 = arith.muli %add3A, %mul3A_38 : i32
      %add3A_40 = arith.constant 319488 : i32
      %add3A_41 = arith.addi %add3A_40, %mul3A_39 : i32
      "tpu.region"() ({
        %run_scoped3A = tpu.sem_alloc : memref<!tpu.dma_semaphore, #tpu.memory_space<semaphore_mem>>
        %dma_start3A_48 = arith.constant 0 : i32
        %dma_start3A_49 = tpu.memref_slice %arg2[%dma_start3A_48, %add3A_41] : memref<2x320000xi32, #tpu.memory_space<hbm>> -> memref<2x128xi32, #tpu.memory_space<hbm>>
        %dma_start3A_50 = arith.constant 0 : i32
        %dma_start3A_51 = tpu.memref_slice %arg2[%dma_start3A_50, %add3A_41] : memref<2x320000xi32, #tpu.memory_space<hbm>> -> memref<2x128xi32, #tpu.memory_space<hbm>>
        tpu.enqueue_dma source(%dma_start3A_51 : memref<2x128xi32, #tpu.memory_space<hbm>>) target(%arg7 : memref<2x128xi32, #tpu.memory_space<vmem>>) target_semaphore(%run_scoped3A : memref<!tpu.dma_semaphore, #tpu.memory_space<semaphore_mem>>)
        %dma_wait3A_52 = arith.constant 0 : i32
        %dma_wait3A_53 = tpu.memref_slice %arg2[%dma_wait3A_52, %add3A_41] : memref<2x320000xi32, #tpu.memory_space<hbm>> -> memref<2x128xi32, #tpu.memory_space<hbm>>
        %dma_wait3A_54 = arith.constant 0 : i32
        %dma_wait3A_55 = tpu.memref_slice %arg2[%dma_wait3A_54, %add3A_41] : memref<2x320000xi32, #tpu.memory_space<hbm>> -> memref<2x128xi32, #tpu.memory_space<hbm>>
        tpu.wait_dma2 semaphore(%run_scoped3A : memref<!tpu.dma_semaphore, #tpu.memory_space<semaphore_mem>>) src(%dma_wait3A_55 : memref<2x128xi32, #tpu.memory_space<hbm>>) dst(%arg7 : memref<2x128xi32, #tpu.memory_space<vmem>>)
        tpu.yield
      }) : () -> ()
      %scan3A_42 = arith.constant 0 : i32
      %scan3A_43 = arith.constant 0 : i32
      %scan3A_44 = arith.constant 8 : i32
      %scan3A_45 = arith.addi %scan3A_43, %scan3A_44 : i32
      %scan3A_46 = arith.constant 1 : i32
      scf.for %scan3A_48 = %scan3A_43 to %scan3A_45 step %scan3A_46  : i32 {
        %mul3A_49 = arith.constant 16 : i32
        %mul3A_50 = arith.muli %scan3A_48, %mul3A_49 : i32
        %get3A_51 = arith.constant 0 : i32
        %get3A_52 = arith.index_cast %get3A_51 : i32 to index
        %get3A_53 = arith.index_cast %mul3A_50 : i32 to index
        %get3A_54 = tpu.vector_load %arg7[%get3A_52, %get3A_53] {strides = array<i32>} : memref<2x128xi32, #tpu.memory_space<vmem>>, vector<16xi32>,
        %get3A_55 = arith.constant 1 : i32
        %get3A_56 = arith.index_cast %get3A_55 : i32 to index
        %get3A_57 = arith.index_cast %mul3A_50 : i32 to index
        %get3A_58 = tpu.vector_load %arg7[%get3A_56, %get3A_57] {strides = array<i32>} : memref<2x128xi32, #tpu.memory_space<vmem>>, vector<16xi32>,
        %eq3A = arith.cmpi eq, %get3A_58, %get3A_15 : vector<16xi32>
        %eq3A_59 = arith.cmpi eq, %get3A_54, %get3A_15 : vector<16xi32>
        %or3A = arith.ori %eq3A, %eq3A_59 : vector<16xi1>
        %convert_element_type3A_60 = arith.extui %or3A : vector<16xi1> to vector<16xi32>
        %reduce_sum3A = arith.constant true
        %reduce_sum3A_61 = vector.broadcast %reduce_sum3A : i1 to vector<16xi1>
        %reduce_sum3A_62 = tpu.scan <sum>, %convert_element_type3A_60 masked %reduce_sum3A_61 : vector<16xi32>, vector<16xi1> -> vector<16xi32>
        %reduce_sum3A_63 = vector.extract %reduce_sum3A_62[15] : i32 from vector<16xi32>
        %gt3A = arith.constant 0 : i32
        %gt3A_64 = arith.cmpi sgt, %reduce_sum3A_63, %gt3A : i32
        %convert_element_type3A_65 = arith.extui %gt3A_64 : i1 to i32
        %cond3A_66 = arith.constant 0 : i32
        %cond3A_67 = arith.cmpi ne, %convert_element_type3A_65, %cond3A_66 : i32
        scf.if %cond3A_67 {
          %scan3A_68 = arith.constant 0 : i32
          %scan3A_69 = arith.constant 0 : i32
          %scan3A_70 = arith.constant 16 : i32
          %scan3A_71 = arith.addi %scan3A_69, %scan3A_70 : i32
          %scan3A_72 = arith.constant 1 : i32
          scf.for %scan3A_74 = %scan3A_69 to %scan3A_71 step %scan3A_72  : i32 {
            %eq3A_75 = vector.broadcast %scan3A_74 : i32 to vector<16xi32>
            %eq3A_76 = arith.cmpi eq, %iota3A, %eq3A_75 : vector<16xi32>
            %and3A = arith.andi %eq3A, %eq3A_76 : vector<16xi1>
            tpu.vector_store_idx %arg8[%get3A_54], %broadcast_in_dim3A_17 masked %and3A {add = true} : memref<10240xf32, #tpu.memory_space<vmem>>[vector<16xi32>], vector<16xf32>, vector<16xi1>
            %and3A_77 = arith.andi %eq3A_59, %eq3A_76 : vector<16xi1>
            tpu.vector_store_idx %arg9[%get3A_58], %broadcast_in_dim3A_17 masked %and3A_77 {add = true} : memref<10240xf32, #tpu.memory_space<vmem>>[vector<16xi32>], vector<16xf32>, vector<16xi1>
          }
          %scan3A_73 = arith.constant 16 : i32
        } else {
        }
      }
      %scan3A_47 = arith.constant 8 : i32
    } else {
    }
    %mul3A_26 = arith.constant 10240 : i32
    %mul3A_27 = arith.muli %add3A, %mul3A_26 : i32
    %dma_start3A_28 = tpu.memref_slice %arg4[%mul3A_27] : memref<327680xf32, #tpu.memory_space<hbm>> -> memref<10240xf32, #tpu.memory_space<hbm>>
    %dma_start3A_29 = tpu.memref_slice %arg4[%mul3A_27] : memref<327680xf32, #tpu.memory_space<hbm>> -> memref<10240xf32, #tpu.memory_space<hbm>>
    tpu.enqueue_dma source(%arg8 : memref<10240xf32, #tpu.memory_space<vmem>>) target(%dma_start3A_29 : memref<10240xf32, #tpu.memory_space<hbm>>) target_semaphore(%arg11 : memref<!tpu.dma_semaphore, #tpu.memory_space<semaphore_mem>>)
    %mul3A_30 = arith.constant 10240 : i32
    %mul3A_31 = arith.muli %add3A, %mul3A_30 : i32
    %dma_start3A_32 = tpu.memref_slice %arg5[%mul3A_31] : memref<327680xf32, #tpu.memory_space<hbm>> -> memref<10240xf32, #tpu.memory_space<hbm>>
    %dma_start3A_33 = tpu.memref_slice %arg5[%mul3A_31] : memref<327680xf32, #tpu.memory_space<hbm>> -> memref<10240xf32, #tpu.memory_space<hbm>>
    tpu.enqueue_dma source(%arg9 : memref<10240xf32, #tpu.memory_space<vmem>>) target(%dma_start3A_33 : memref<10240xf32, #tpu.memory_space<hbm>>) target_semaphore(%arg11 : memref<!tpu.dma_semaphore, #tpu.memory_space<semaphore_mem>>)
    %dma_wait3A_34 = tpu.memref_slice %arg4[%mul3A_27] : memref<327680xf32, #tpu.memory_space<hbm>> -> memref<10240xf32, #tpu.memory_space<hbm>>
    %dma_wait3A_35 = tpu.memref_slice %arg4[%mul3A_27] : memref<327680xf32, #tpu.memory_space<hbm>> -> memref<10240xf32, #tpu.memory_space<hbm>>
    tpu.wait_dma2 semaphore(%arg11 : memref<!tpu.dma_semaphore, #tpu.memory_space<semaphore_mem>>) src(%arg8 : memref<10240xf32, #tpu.memory_space<vmem>>) dst(%dma_wait3A_35 : memref<10240xf32, #tpu.memory_space<hbm>>)
    %dma_wait3A_36 = tpu.memref_slice %arg5[%mul3A_31] : memref<327680xf32, #tpu.memory_space<hbm>> -> memref<10240xf32, #tpu.memory_space<hbm>>
    %dma_wait3A_37 = tpu.memref_slice %arg5[%mul3A_31] : memref<327680xf32, #tpu.memory_space<hbm>> -> memref<10240xf32, #tpu.memory_space<hbm>>
    tpu.wait_dma2 semaphore(%arg11 : memref<!tpu.dma_semaphore, #tpu.memory_space<semaphore_mem>>) src(%arg9 : memref<10240xf32, #tpu.memory_space<vmem>>) dst(%dma_wait3A_37 : memref<10240xf32, #tpu.memory_space<hbm>>)
    return
  }
}

module attributes {stable_mosaic.version = 14 : i64} {
  func.func @devnet_dense_tc_a(%arg0: memref<1xi32, #tpu.memory_space<smem>>, %arg1: memref<64xi32, #tpu.memory_space<smem>>, %arg2: memref<10000x128xf32, #tpu.memory_space<vmem>>, %arg3: memref<128x128xf32, #tpu.memory_space<vmem>>, %arg4: memref<1x128xf32, #tpu.memory_space<vmem>>, %arg5: memref<1x128xf32, #tpu.memory_space<vmem>>, %arg6: memref<128x128xf32, #tpu.memory_space<vmem>>, %arg7: memref<1x128xf32, #tpu.memory_space<vmem>>, %arg8: memref<1x128xf32, #tpu.memory_space<vmem>>, %arg9: memref<2x10000xf32, #tpu.memory_space<vmem>>, %arg10: memref<3x128xf32, #tpu.memory_space<vmem>>) attributes {dimension_semantics = [], scalar_prefetch = 0 : i64, scratch_operands = 0 : i64, tpu.core_type = #tpu.core_type<tc>} {
    %get3A = arith.constant 0 : index
    %get3A_0 = arith.constant 0 : index
    %get3A_1 = vector.load %arg2[%get3A, %get3A_0] : memref<10000x128xf32, #tpu.memory_space<vmem>>, vector<10000x128xf32>
    %get3A_2 = arith.constant 0 : index
    %get3A_3 = arith.constant 0 : index
    %get3A_4 = vector.load %arg4[%get3A_2, %get3A_3] : memref<1x128xf32, #tpu.memory_space<vmem>>, vector<1x128xf32>
    %get3A_5 = arith.constant 0 : index
    %get3A_6 = arith.constant 0 : index
    %get3A_7 = vector.load %arg3[%get3A_5, %get3A_6] : memref<128x128xf32, #tpu.memory_space<vmem>>, vector<128x128xf32>
    %dot_general3A = arith.constant dense<0.000000e+00> : vector<1x128xf32>
    %dot_general3A_8 = tpu.matmul %get3A_4, %get3A_7, %dot_general3A {dimension_numbers = #tpu.dot_dimension_numbers<[1], [1], [0], [0], [0, 0, 1, 0], [], []>, transpose_lhs_hint = false} : vector<1x128xf32>, vector<128x128xf32>, vector<1x128xf32> -> vector<1x128xf32>
    %get3A_9 = arith.constant 0 : index
    %get3A_10 = arith.constant 0 : index
    %get3A_11 = vector.load %arg7[%get3A_9, %get3A_10] : memref<1x128xf32, #tpu.memory_space<vmem>>, vector<1x128xf32>
    %get3A_12 = arith.constant 0 : index
    %get3A_13 = arith.constant 0 : index
    %get3A_14 = vector.load %arg6[%get3A_12, %get3A_13] : memref<128x128xf32, #tpu.memory_space<vmem>>, vector<128x128xf32>
    %dot_general3A_15 = arith.constant dense<0.000000e+00> : vector<1x128xf32>
    %dot_general3A_16 = tpu.matmul %get3A_11, %get3A_14, %dot_general3A_15 {dimension_numbers = #tpu.dot_dimension_numbers<[1], [1], [0], [0], [0, 0, 1, 0], [], []>, transpose_lhs_hint = false} : vector<1x128xf32>, vector<128x128xf32>, vector<1x128xf32> -> vector<1x128xf32>
    %concatenate3A = tpu.concatenate %dot_general3A_8, %dot_general3A_16 in 0 : vector<1x128xf32>, vector<1x128xf32> -> vector<2x128xf32>
    %get3A_17 = arith.constant 0 : index
    %get3A_18 = memref.load %arg0[%get3A_17] : memref<1xi32, #tpu.memory_space<smem>>
    %get3A_19 = arith.index_cast %get3A_18 : i32 to index
    %get3A_20 = arith.constant 0 : index
    %get3A_21 = vector.load %arg2[%get3A_19, %get3A_20] : memref<10000x128xf32, #tpu.memory_space<vmem>>, vector<1x128xf32>
    %get3A_22 = arith.constant 0 : index
    %get3A_23 = arith.constant 0 : index
    %get3A_24 = vector.load %arg5[%get3A_22, %get3A_23] : memref<1x128xf32, #tpu.memory_space<vmem>>, vector<1x128xf32>
    %get3A_25 = arith.constant 0 : index
    %get3A_26 = arith.constant 0 : index
    %get3A_27 = vector.load %arg3[%get3A_25, %get3A_26] : memref<128x128xf32, #tpu.memory_space<vmem>>, vector<128x128xf32>
    %dot_general3A_28 = arith.constant dense<0.000000e+00> : vector<1x128xf32>
    %dot_general3A_29 = tpu.matmul %get3A_24, %get3A_27, %dot_general3A_28 {dimension_numbers = #tpu.dot_dimension_numbers<[1], [1], [0], [0], [0, 0, 1, 0], [], []>, transpose_lhs_hint = false} : vector<1x128xf32>, vector<128x128xf32>, vector<1x128xf32> -> vector<1x128xf32>
    %dot_general3A_30 = arith.constant dense<0.000000e+00> : vector<1x1xf32>
    %dot_general3A_31 = tpu.matmul %get3A_21, %dot_general3A_29, %dot_general3A_30 {dimension_numbers = #tpu.dot_dimension_numbers<[1], [1], [0], [0], [0, 0, 1, 0], [], []>, transpose_lhs_hint = false} : vector<1x128xf32>, vector<1x128xf32>, vector<1x1xf32> -> vector<1x1xf32>
    %get3A_32 = arith.constant 0 : index
    %get3A_33 = arith.constant 0 : index
    %get3A_34 = vector.load %arg8[%get3A_32, %get3A_33] : memref<1x128xf32, #tpu.memory_space<vmem>>, vector<1x128xf32>
    %get3A_35 = arith.constant 0 : index
    %get3A_36 = arith.constant 0 : index
    %get3A_37 = vector.load %arg6[%get3A_35, %get3A_36] : memref<128x128xf32, #tpu.memory_space<vmem>>, vector<128x128xf32>
    %dot_general3A_38 = arith.constant dense<0.000000e+00> : vector<1x128xf32>
    %dot_general3A_39 = tpu.matmul %get3A_34, %get3A_37, %dot_general3A_38 {dimension_numbers = #tpu.dot_dimension_numbers<[1], [1], [0], [0], [0, 0, 1, 0], [], []>, transpose_lhs_hint = false} : vector<1x128xf32>, vector<128x128xf32>, vector<1x128xf32> -> vector<1x128xf32>
    %dot_general3A_40 = arith.constant dense<0.000000e+00> : vector<1x1xf32>
    %dot_general3A_41 = tpu.matmul %get3A_21, %dot_general3A_39, %dot_general3A_40 {dimension_numbers = #tpu.dot_dimension_numbers<[1], [1], [0], [0], [0, 0, 1, 0], [], []>, transpose_lhs_hint = false} : vector<1x128xf32>, vector<1x128xf32>, vector<1x1xf32> -> vector<1x1xf32>
    %dot_general3A_42 = arith.constant dense<0.000000e+00> : vector<2x10000xf32>
    %dot_general3A_43 = tpu.matmul %concatenate3A, %get3A_1, %dot_general3A_42 {dimension_numbers = #tpu.dot_dimension_numbers<[1], [1], [0], [0], [0, 0, 1, 0], [], []>, transpose_lhs_hint = false} : vector<2x128xf32>, vector<10000x128xf32>, vector<2x10000xf32> -> vector<2x10000xf32>
    %swap3A = arith.constant 0 : index
    %swap3A_44 = arith.constant 0 : index
    %swap3A_45 = vector.load %arg9[%swap3A, %swap3A_44] : memref<2x10000xf32, #tpu.memory_space<vmem>>, vector<2x10000xf32>
    tpu.vector_store %arg9[%swap3A, %swap3A_44], %dot_general3A_43 {strides = array<i32>} : memref<2x10000xf32, #tpu.memory_space<vmem>>, vector<2x10000xf32>,
    %broadcast_in_dim3A = arith.constant 0.000000e+00 : f32
    %broadcast_in_dim3A_46 = vector.broadcast %broadcast_in_dim3A : f32 to vector<1x128xf32>
    %scan3A = arith.constant 0 : i32
    %scan3A_47 = arith.constant 64 : i32
    %scan3A_48 = arith.addi %scan3A, %scan3A_47 : i32
    %scan3A_49 = arith.constant 1 : i32
    %scan3A_50 = scf.for %scan3A_64 = %scan3A to %scan3A_48 step %scan3A_49 iter_args(%scan3A_65 = %broadcast_in_dim3A_46) -> (vector<1x128xf32>)  : i32 {
      %get3A_66 = arith.index_cast %scan3A_64 : i32 to index
      %get3A_67 = memref.load %arg1[%get3A_66] : memref<64xi32, #tpu.memory_space<smem>>
      %get3A_68 = arith.index_cast %get3A_67 : i32 to index
      %get3A_69 = arith.constant 0 : index
      %get3A_70 = vector.load %arg2[%get3A_68, %get3A_69] : memref<10000x128xf32, #tpu.memory_space<vmem>>, vector<1x128xf32>
      %add3A = arith.addf %scan3A_65, %get3A_70 : vector<1x128xf32>
      scf.yield %add3A : vector<1x128xf32>
    }
    %scan3A_51 = arith.constant 64 : i32
    %swap3A_52 = arith.constant 0 : index
    %swap3A_53 = arith.constant 0 : index
    %swap3A_54 = vector.load %arg10[%swap3A_52, %swap3A_53] : memref<3x128xf32, #tpu.memory_space<vmem>>, vector<1x128xf32>
    tpu.vector_store %arg10[%swap3A_52, %swap3A_53], %get3A_21 {strides = array<i32>} : memref<3x128xf32, #tpu.memory_space<vmem>>, vector<1x128xf32>,
    %swap3A_55 = arith.constant 1 : index
    %swap3A_56 = arith.constant 0 : index
    %swap3A_57 = vector.load %arg10[%swap3A_55, %swap3A_56] : memref<3x128xf32, #tpu.memory_space<vmem>>, vector<1x128xf32>
    tpu.vector_store %arg10[%swap3A_55, %swap3A_56], %scan3A_50 {strides = array<i32>} : memref<3x128xf32, #tpu.memory_space<vmem>>, vector<1x128xf32>,
    %broadcast_in_dim3A_58 = arith.constant 0.000000e+00 : f32
    %broadcast_in_dim3A_59 = vector.broadcast %broadcast_in_dim3A_58 : f32 to vector<1x126xf32>
    %concatenate3A_60 = tpu.concatenate %dot_general3A_31, %dot_general3A_41, %broadcast_in_dim3A_59 in 1 : vector<1x1xf32>, vector<1x1xf32>, vector<1x126xf32> -> vector<1x128xf32>
    %swap3A_61 = arith.constant 2 : index
    %swap3A_62 = arith.constant 0 : index
    %swap3A_63 = vector.load %arg10[%swap3A_61, %swap3A_62] : memref<3x128xf32, #tpu.memory_space<vmem>>, vector<1x128xf32>
    tpu.vector_store %arg10[%swap3A_61, %swap3A_62], %concatenate3A_60 {strides = array<i32>} : memref<3x128xf32, #tpu.memory_space<vmem>>, vector<1x128xf32>,
    return
  }
}

module attributes {stable_mosaic.version = 14 : i64} {
  func.func @devnet_dense_tc_b(%arg0: memref<2x10000xf32, #tpu.memory_space<vmem>>, %arg1: memref<3x128xf32, #tpu.memory_space<vmem>>, %arg2: memref<10000x128xf32, #tpu.memory_space<vmem>>, %arg3: memref<327680xf32, #tpu.memory_space<vmem>>, %arg4: memref<327680xf32, #tpu.memory_space<vmem>>, %arg5: memref<128x128xf32, #tpu.memory_space<vmem>>, %arg6: memref<1x128xf32, #tpu.memory_space<vmem>>, %arg7: memref<128x128xf32, #tpu.memory_space<vmem>>, %arg8: memref<1x128xf32, #tpu.memory_space<vmem>>, %arg9: memref<4x128xf32, #tpu.memory_space<vmem>>) attributes {dimension_semantics = [], scalar_prefetch = 0 : i64, scratch_operands = 0 : i64, tpu.core_type = #tpu.core_type<tc>} {
    %get3A = arith.constant 0 : index
    %get3A_0 = arith.constant 0 : index
    %get3A_1 = vector.load %arg2[%get3A, %get3A_0] : memref<10000x128xf32, #tpu.memory_space<vmem>>, vector<10000x128xf32>
    %get3A_2 = arith.constant 2 : index
    %get3A_3 = arith.constant 0 : index
    %get3A_4 = vector.load %arg1[%get3A_2, %get3A_3] : memref<3x128xf32, #tpu.memory_space<vmem>>, vector<1x1xf32>
    %get3A_5 = arith.constant 2 : index
    %get3A_6 = arith.constant 1 : index
    %get3A_7 = vector.load %arg1[%get3A_5, %get3A_6] : memref<3x128xf32, #tpu.memory_space<vmem>>, vector<1x1xf32>
    %concatenate3A = tpu.concatenate %get3A_4, %get3A_7 in 0 : vector<1x1xf32>, vector<1x1xf32> -> vector<2x1xf32>
    %get3A_8 = arith.constant 0 : index
    %get3A_9 = arith.constant 0 : index
    %get3A_10 = vector.load %arg0[%get3A_8, %get3A_9] : memref<2x10000xf32, #tpu.memory_space<vmem>>, vector<2x10000xf32>
    %add3A = vector.broadcast %concatenate3A : vector<2x1xf32> to vector<2x10000xf32>
    %add3A_11 = arith.addf %get3A_10, %add3A : vector<2x10000xf32>
    %ge3A = arith.constant 0.000000e+00 : f32
    %ge3A_12 = vector.broadcast %ge3A : f32 to vector<2x10000xf32>
    %ge3A_13 = arith.cmpf oge, %add3A_11, %ge3A_12 : vector<2x10000xf32>
    %mul3A = arith.constant 2.000000e-01 : f32
    %mul3A_14 = vector.broadcast %mul3A : f32 to vector<2x10000xf32>
    %mul3A_15 = arith.mulf %mul3A_14, %add3A_11 : vector<2x10000xf32>
    %select_n3A = arith.select %ge3A_13, %add3A_11, %mul3A_15 : vector<2x10000xi1>, vector<2x10000xf32>
    %get3A_16 = arith.constant 0 : index
    %get3A_17 = vector.load %arg3[%get3A_16] : memref<327680xf32, #tpu.memory_space<vmem>>, vector<327680xf32>
    %get3A_18 = arith.constant 0 : index
    %get3A_19 = vector.load %arg4[%get3A_18] : memref<327680xf32, #tpu.memory_space<vmem>>, vector<327680xf32>
    %slice3A = vector.extract_strided_slice %get3A_17 {offsets = [0], sizes = [10240], strides = [1]} : vector<327680xf32> to vector<10240xf32>
    %slice3A_20 = vector.extract_strided_slice %get3A_19 {offsets = [0], sizes = [10240], strides = [1]} : vector<327680xf32> to vector<10240xf32>
    %slice3A_21 = vector.extract_strided_slice %get3A_17 {offsets = [10240], sizes = [10240], strides = [1]} : vector<327680xf32> to vector<10240xf32>
    %add3A_22 = arith.addf %slice3A, %slice3A_21 : vector<10240xf32>
    %slice3A_23 = vector.extract_strided_slice %get3A_19 {offsets = [10240], sizes = [10240], strides = [1]} : vector<327680xf32> to vector<10240xf32>
    %add3A_24 = arith.addf %slice3A_20, %slice3A_23 : vector<10240xf32>
    %slice3A_25 = vector.extract_strided_slice %get3A_17 {offsets = [20480], sizes = [10240], strides = [1]} : vector<327680xf32> to vector<10240xf32>
    %add3A_26 = arith.addf %add3A_22, %slice3A_25 : vector<10240xf32>
    %slice3A_27 = vector.extract_strided_slice %get3A_19 {offsets = [20480], sizes = [10240], strides = [1]} : vector<327680xf32> to vector<10240xf32>
    %add3A_28 = arith.addf %add3A_24, %slice3A_27 : vector<10240xf32>
    %slice3A_29 = vector.extract_strided_slice %get3A_17 {offsets = [30720], sizes = [10240], strides = [1]} : vector<327680xf32> to vector<10240xf32>
    %add3A_30 = arith.addf %add3A_26, %slice3A_29 : vector<10240xf32>
    %slice3A_31 = vector.extract_strided_slice %get3A_19 {offsets = [30720], sizes = [10240], strides = [1]} : vector<327680xf32> to vector<10240xf32>
    %add3A_32 = arith.addf %add3A_28, %slice3A_31 : vector<10240xf32>
    %slice3A_33 = vector.extract_strided_slice %get3A_17 {offsets = [40960], sizes = [10240], strides = [1]} : vector<327680xf32> to vector<10240xf32>
    %add3A_34 = arith.addf %add3A_30, %slice3A_33 : vector<10240xf32>
    %slice3A_35 = vector.extract_strided_slice %get3A_19 {offsets = [40960], sizes = [10240], strides = [1]} : vector<327680xf32> to vector<10240xf32>
    %add3A_36 = arith.addf %add3A_32, %slice3A_35 : vector<10240xf32>
    %slice3A_37 = vector.extract_strided_slice %get3A_17 {offsets = [51200], sizes = [10240], strides = [1]} : vector<327680xf32> to vector<10240xf32>
    %add3A_38 = arith.addf %add3A_34, %slice3A_37 : vector<10240xf32>
    %slice3A_39 = vector.extract_strided_slice %get3A_19 {offsets = [51200], sizes = [10240], strides = [1]} : vector<327680xf32> to vector<10240xf32>
    %add3A_40 = arith.addf %add3A_36, %slice3A_39 : vector<10240xf32>
    %slice3A_41 = vector.extract_strided_slice %get3A_17 {offsets = [61440], sizes = [10240], strides = [1]} : vector<327680xf32> to vector<10240xf32>
    %add3A_42 = arith.addf %add3A_38, %slice3A_41 : vector<10240xf32>
    %slice3A_43 = vector.extract_strided_slice %get3A_19 {offsets = [61440], sizes = [10240], strides = [1]} : vector<327680xf32> to vector<10240xf32>
    %add3A_44 = arith.addf %add3A_40, %slice3A_43 : vector<10240xf32>
    %slice3A_45 = vector.extract_strided_slice %get3A_17 {offsets = [71680], sizes = [10240], strides = [1]} : vector<327680xf32> to vector<10240xf32>
    %add3A_46 = arith.addf %add3A_42, %slice3A_45 : vector<10240xf32>
    %slice3A_47 = vector.extract_strided_slice %get3A_19 {offsets = [71680], sizes = [10240], strides = [1]} : vector<327680xf32> to vector<10240xf32>
    %add3A_48 = arith.addf %add3A_44, %slice3A_47 : vector<10240xf32>
    %slice3A_49 = vector.extract_strided_slice %get3A_17 {offsets = [81920], sizes = [10240], strides = [1]} : vector<327680xf32> to vector<10240xf32>
    %add3A_50 = arith.addf %add3A_46, %slice3A_49 : vector<10240xf32>
    %slice3A_51 = vector.extract_strided_slice %get3A_19 {offsets = [81920], sizes = [10240], strides = [1]} : vector<327680xf32> to vector<10240xf32>
    %add3A_52 = arith.addf %add3A_48, %slice3A_51 : vector<10240xf32>
    %slice3A_53 = vector.extract_strided_slice %get3A_17 {offsets = [92160], sizes = [10240], strides = [1]} : vector<327680xf32> to vector<10240xf32>
    %add3A_54 = arith.addf %add3A_50, %slice3A_53 : vector<10240xf32>
    %slice3A_55 = vector.extract_strided_slice %get3A_19 {offsets = [92160], sizes = [10240], strides = [1]} : vector<327680xf32> to vector<10240xf32>
    %add3A_56 = arith.addf %add3A_52, %slice3A_55 : vector<10240xf32>
    %slice3A_57 = vector.extract_strided_slice %get3A_17 {offsets = [102400], sizes = [10240], strides = [1]} : vector<327680xf32> to vector<10240xf32>
    %add3A_58 = arith.addf %add3A_54, %slice3A_57 : vector<10240xf32>
    %slice3A_59 = vector.extract_strided_slice %get3A_19 {offsets = [102400], sizes = [10240], strides = [1]} : vector<327680xf32> to vector<10240xf32>
    %add3A_60 = arith.addf %add3A_56, %slice3A_59 : vector<10240xf32>
    %slice3A_61 = vector.extract_strided_slice %get3A_17 {offsets = [112640], sizes = [10240], strides = [1]} : vector<327680xf32> to vector<10240xf32>
    %add3A_62 = arith.addf %add3A_58, %slice3A_61 : vector<10240xf32>
    %slice3A_63 = vector.extract_strided_slice %get3A_19 {offsets = [112640], sizes = [10240], strides = [1]} : vector<327680xf32> to vector<10240xf32>
    %add3A_64 = arith.addf %add3A_60, %slice3A_63 : vector<10240xf32>
    %slice3A_65 = vector.extract_strided_slice %get3A_17 {offsets = [122880], sizes = [10240], strides = [1]} : vector<327680xf32> to vector<10240xf32>
    %add3A_66 = arith.addf %add3A_62, %slice3A_65 : vector<10240xf32>
    %slice3A_67 = vector.extract_strided_slice %get3A_19 {offsets = [122880], sizes = [10240], strides = [1]} : vector<327680xf32> to vector<10240xf32>
    %add3A_68 = arith.addf %add3A_64, %slice3A_67 : vector<10240xf32>
    %slice3A_69 = vector.extract_strided_slice %get3A_17 {offsets = [133120], sizes = [10240], strides = [1]} : vector<327680xf32> to vector<10240xf32>
    %add3A_70 = arith.addf %add3A_66, %slice3A_69 : vector<10240xf32>
    %slice3A_71 = vector.extract_strided_slice %get3A_19 {offsets = [133120], sizes = [10240], strides = [1]} : vector<327680xf32> to vector<10240xf32>
    %add3A_72 = arith.addf %add3A_68, %slice3A_71 : vector<10240xf32>
    %slice3A_73 = vector.extract_strided_slice %get3A_17 {offsets = [143360], sizes = [10240], strides = [1]} : vector<327680xf32> to vector<10240xf32>
    %add3A_74 = arith.addf %add3A_70, %slice3A_73 : vector<10240xf32>
    %slice3A_75 = vector.extract_strided_slice %get3A_19 {offsets = [143360], sizes = [10240], strides = [1]} : vector<327680xf32> to vector<10240xf32>
    %add3A_76 = arith.addf %add3A_72, %slice3A_75 : vector<10240xf32>
    %slice3A_77 = vector.extract_strided_slice %get3A_17 {offsets = [153600], sizes = [10240], strides = [1]} : vector<327680xf32> to vector<10240xf32>
    %add3A_78 = arith.addf %add3A_74, %slice3A_77 : vector<10240xf32>
    %slice3A_79 = vector.extract_strided_slice %get3A_19 {offsets = [153600], sizes = [10240], strides = [1]} : vector<327680xf32> to vector<10240xf32>
    %add3A_80 = arith.addf %add3A_76, %slice3A_79 : vector<10240xf32>
    %slice3A_81 = vector.extract_strided_slice %get3A_17 {offsets = [163840], sizes = [10240], strides = [1]} : vector<327680xf32> to vector<10240xf32>
    %add3A_82 = arith.addf %add3A_78, %slice3A_81 : vector<10240xf32>
    %slice3A_83 = vector.extract_strided_slice %get3A_19 {offsets = [163840], sizes = [10240], strides = [1]} : vector<327680xf32> to vector<10240xf32>
    %add3A_84 = arith.addf %add3A_80, %slice3A_83 : vector<10240xf32>
    %slice3A_85 = vector.extract_strided_slice %get3A_17 {offsets = [174080], sizes = [10240], strides = [1]} : vector<327680xf32> to vector<10240xf32>
    %add3A_86 = arith.addf %add3A_82, %slice3A_85 : vector<10240xf32>
    %slice3A_87 = vector.extract_strided_slice %get3A_19 {offsets = [174080], sizes = [10240], strides = [1]} : vector<327680xf32> to vector<10240xf32>
    %add3A_88 = arith.addf %add3A_84, %slice3A_87 : vector<10240xf32>
    %slice3A_89 = vector.extract_strided_slice %get3A_17 {offsets = [184320], sizes = [10240], strides = [1]} : vector<327680xf32> to vector<10240xf32>
    %add3A_90 = arith.addf %add3A_86, %slice3A_89 : vector<10240xf32>
    %slice3A_91 = vector.extract_strided_slice %get3A_19 {offsets = [184320], sizes = [10240], strides = [1]} : vector<327680xf32> to vector<10240xf32>
    %add3A_92 = arith.addf %add3A_88, %slice3A_91 : vector<10240xf32>
    %slice3A_93 = vector.extract_strided_slice %get3A_17 {offsets = [194560], sizes = [10240], strides = [1]} : vector<327680xf32> to vector<10240xf32>
    %add3A_94 = arith.addf %add3A_90, %slice3A_93 : vector<10240xf32>
    %slice3A_95 = vector.extract_strided_slice %get3A_19 {offsets = [194560], sizes = [10240], strides = [1]} : vector<327680xf32> to vector<10240xf32>
    %add3A_96 = arith.addf %add3A_92, %slice3A_95 : vector<10240xf32>
    %slice3A_97 = vector.extract_strided_slice %get3A_17 {offsets = [204800], sizes = [10240], strides = [1]} : vector<327680xf32> to vector<10240xf32>
    %add3A_98 = arith.addf %add3A_94, %slice3A_97 : vector<10240xf32>
    %slice3A_99 = vector.extract_strided_slice %get3A_19 {offsets = [204800], sizes = [10240], strides = [1]} : vector<327680xf32> to vector<10240xf32>
    %add3A_100 = arith.addf %add3A_96, %slice3A_99 : vector<10240xf32>
    %slice3A_101 = vector.extract_strided_slice %get3A_17 {offsets = [215040], sizes = [10240], strides = [1]} : vector<327680xf32> to vector<10240xf32>
    %add3A_102 = arith.addf %add3A_98, %slice3A_101 : vector<10240xf32>
    %slice3A_103 = vector.extract_strided_slice %get3A_19 {offsets = [215040], sizes = [10240], strides = [1]} : vector<327680xf32> to vector<10240xf32>
    %add3A_104 = arith.addf %add3A_100, %slice3A_103 : vector<10240xf32>
    %slice3A_105 = vector.extract_strided_slice %get3A_17 {offsets = [225280], sizes = [10240], strides = [1]} : vector<327680xf32> to vector<10240xf32>
    %add3A_106 = arith.addf %add3A_102, %slice3A_105 : vector<10240xf32>
    %slice3A_107 = vector.extract_strided_slice %get3A_19 {offsets = [225280], sizes = [10240], strides = [1]} : vector<327680xf32> to vector<10240xf32>
    %add3A_108 = arith.addf %add3A_104, %slice3A_107 : vector<10240xf32>
    %slice3A_109 = vector.extract_strided_slice %get3A_17 {offsets = [235520], sizes = [10240], strides = [1]} : vector<327680xf32> to vector<10240xf32>
    %add3A_110 = arith.addf %add3A_106, %slice3A_109 : vector<10240xf32>
    %slice3A_111 = vector.extract_strided_slice %get3A_19 {offsets = [235520], sizes = [10240], strides = [1]} : vector<327680xf32> to vector<10240xf32>
    %add3A_112 = arith.addf %add3A_108, %slice3A_111 : vector<10240xf32>
    %slice3A_113 = vector.extract_strided_slice %get3A_17 {offsets = [245760], sizes = [10240], strides = [1]} : vector<327680xf32> to vector<10240xf32>
    %add3A_114 = arith.addf %add3A_110, %slice3A_113 : vector<10240xf32>
    %slice3A_115 = vector.extract_strided_slice %get3A_19 {offsets = [245760], sizes = [10240], strides = [1]} : vector<327680xf32> to vector<10240xf32>
    %add3A_116 = arith.addf %add3A_112, %slice3A_115 : vector<10240xf32>
    %slice3A_117 = vector.extract_strided_slice %get3A_17 {offsets = [256000], sizes = [10240], strides = [1]} : vector<327680xf32> to vector<10240xf32>
    %add3A_118 = arith.addf %add3A_114, %slice3A_117 : vector<10240xf32>
    %slice3A_119 = vector.extract_strided_slice %get3A_19 {offsets = [256000], sizes = [10240], strides = [1]} : vector<327680xf32> to vector<10240xf32>
    %add3A_120 = arith.addf %add3A_116, %slice3A_119 : vector<10240xf32>
    %slice3A_121 = vector.extract_strided_slice %get3A_17 {offsets = [266240], sizes = [10240], strides = [1]} : vector<327680xf32> to vector<10240xf32>
    %add3A_122 = arith.addf %add3A_118, %slice3A_121 : vector<10240xf32>
    %slice3A_123 = vector.extract_strided_slice %get3A_19 {offsets = [266240], sizes = [10240], strides = [1]} : vector<327680xf32> to vector<10240xf32>
    %add3A_124 = arith.addf %add3A_120, %slice3A_123 : vector<10240xf32>
    %slice3A_125 = vector.extract_strided_slice %get3A_17 {offsets = [276480], sizes = [10240], strides = [1]} : vector<327680xf32> to vector<10240xf32>
    %add3A_126 = arith.addf %add3A_122, %slice3A_125 : vector<10240xf32>
    %slice3A_127 = vector.extract_strided_slice %get3A_19 {offsets = [276480], sizes = [10240], strides = [1]} : vector<327680xf32> to vector<10240xf32>
    %add3A_128 = arith.addf %add3A_124, %slice3A_127 : vector<10240xf32>
    %slice3A_129 = vector.extract_strided_slice %get3A_17 {offsets = [286720], sizes = [10240], strides = [1]} : vector<327680xf32> to vector<10240xf32>
    %add3A_130 = arith.addf %add3A_126, %slice3A_129 : vector<10240xf32>
    %slice3A_131 = vector.extract_strided_slice %get3A_19 {offsets = [286720], sizes = [10240], strides = [1]} : vector<327680xf32> to vector<10240xf32>
    %add3A_132 = arith.addf %add3A_128, %slice3A_131 : vector<10240xf32>
    %slice3A_133 = vector.extract_strided_slice %get3A_17 {offsets = [296960], sizes = [10240], strides = [1]} : vector<327680xf32> to vector<10240xf32>
    %add3A_134 = arith.addf %add3A_130, %slice3A_133 : vector<10240xf32>
    %slice3A_135 = vector.extract_strided_slice %get3A_19 {offsets = [296960], sizes = [10240], strides = [1]} : vector<327680xf32> to vector<10240xf32>
    %add3A_136 = arith.addf %add3A_132, %slice3A_135 : vector<10240xf32>
    %slice3A_137 = vector.extract_strided_slice %get3A_17 {offsets = [307200], sizes = [10240], strides = [1]} : vector<327680xf32> to vector<10240xf32>
    %add3A_138 = arith.addf %add3A_134, %slice3A_137 : vector<10240xf32>
    %slice3A_139 = vector.extract_strided_slice %get3A_19 {offsets = [307200], sizes = [10240], strides = [1]} : vector<327680xf32> to vector<10240xf32>
    %add3A_140 = arith.addf %add3A_136, %slice3A_139 : vector<10240xf32>
    %slice3A_141 = vector.extract_strided_slice %get3A_17 {offsets = [317440], sizes = [10240], strides = [1]} : vector<327680xf32> to vector<10240xf32>
    %add3A_142 = arith.addf %add3A_138, %slice3A_141 : vector<10240xf32>
    %slice3A_143 = vector.extract_strided_slice %get3A_19 {offsets = [317440], sizes = [10240], strides = [1]} : vector<327680xf32> to vector<10240xf32>
    %add3A_144 = arith.addf %add3A_140, %slice3A_143 : vector<10240xf32>
    %slice3A_145 = vector.extract_strided_slice %add3A_142 {offsets = [0], sizes = [10000], strides = [1]} : vector<10240xf32> to vector<10000xf32>
    %reshape3A = vector.shape_cast %slice3A_145 : vector<10000xf32> to vector<1x10000xf32>
    %slice3A_146 = vector.extract_strided_slice %add3A_144 {offsets = [0], sizes = [10000], strides = [1]} : vector<10240xf32> to vector<10000xf32>
    %reshape3A_147 = vector.shape_cast %slice3A_146 : vector<10000xf32> to vector<1x10000xf32>
    %concatenate3A_148 = tpu.concatenate %reshape3A, %reshape3A_147 in 0 : vector<1x10000xf32>, vector<1x10000xf32> -> vector<2x10000xf32>
    %gt3A = arith.constant 0.000000e+00 : f32
    %gt3A_149 = vector.broadcast %gt3A : f32 to vector<2x10000xf32>
    %gt3A_150 = arith.cmpf ogt, %concatenate3A_148, %gt3A_149 : vector<2x10000xf32>
    %jit3A = arith.constant 0xFF800000 : f32
    %broadcast_in_dim3A = vector.broadcast %jit3A : f32 to vector<2x10000xf32>
    %select_n3A_151 = arith.select %gt3A_150, %select_n3A, %broadcast_in_dim3A : vector<2x10000xi1>, vector<2x10000xf32>
    %reduce_max3A = arith.constant dense<0xFF800000> : vector<2xf32>
    %reduce_max3A_152 = vector.multi_reduction <maximumf>, %select_n3A_151, %reduce_max3A [1] : vector<2x10000xf32> to vector<2xf32>
    %broadcast_in_dim3A_153 = vector.shape_cast %reduce_max3A_152 : vector<2xf32> to vector<2x1xf32>
    %is_finite3A = tpu.weird %broadcast_in_dim3A_153 : vector<2x1xf32> -> vector<2x1xi1>
    %is_finite3A_154 = arith.constant dense<true> : vector<2x1xi1>
    %is_finite3A_155 = arith.xori %is_finite3A, %is_finite3A_154 : vector<2x1xi1>
    %jit3A_156 = arith.constant 0.000000e+00 : f32
    %broadcast_in_dim3A_157 = vector.broadcast %jit3A_156 : f32 to vector<2x1xf32>
    %select_n3A_158 = arith.select %is_finite3A_155, %broadcast_in_dim3A_153, %broadcast_in_dim3A_157 : vector<2x1xi1>, vector<2x1xf32>
    %sub3A = vector.broadcast %select_n3A_158 : vector<2x1xf32> to vector<2x10000xf32>
    %sub3A_159 = arith.subf %select_n3A_151, %sub3A : vector<2x10000xf32>
    %exp3A = math.exp %sub3A_159 : vector<2x10000xf32>
    %mul3A_160 = arith.mulf %concatenate3A_148, %exp3A : vector<2x10000xf32>
    %jit3A_161 = arith.constant 0.000000e+00 : f32
    %broadcast_in_dim3A_162 = vector.broadcast %jit3A_161 : f32 to vector<2x10000xf32>
    %select_n3A_163 = arith.select %gt3A_150, %mul3A_160, %broadcast_in_dim3A_162 : vector<2x10000xi1>, vector<2x10000xf32>
    %reduce_sum3A = arith.constant dense<0.000000e+00> : vector<2xf32>
    %reduce_sum3A_164 = vector.multi_reduction <add>, %select_n3A_163, %reduce_sum3A [1] : vector<2x10000xf32> to vector<2xf32>
    %broadcast_in_dim3A_165 = vector.shape_cast %reduce_sum3A_164 : vector<2xf32> to vector<2x1xf32>
    %max3A = arith.constant 1.000000e-16 : f32
    %max3A_166 = vector.broadcast %max3A : f32 to vector<2x1xf32>
    %max3A_167 = arith.maximumf %broadcast_in_dim3A_165, %max3A_166 : vector<2x1xf32>
    %div3A = vector.broadcast %max3A_167 : vector<2x1xf32> to vector<2x10000xf32>
    %div3A_168 = arith.divf %select_n3A_163, %div3A : vector<2x10000xf32>
    %dot_general3A = arith.constant dense<0.000000e+00> : vector<2x128xf32>
    %dot_general3A_169 = tpu.matmul %div3A_168, %get3A_1, %dot_general3A {dimension_numbers = #tpu.dot_dimension_numbers<[1], [0], [0], [1], [0, 0, 1, 1], [], []>, transpose_lhs_hint = false} : vector<2x10000xf32>, vector<10000x128xf32>, vector<2x128xf32> -> vector<2x128xf32>
    %slice3A_170 = vector.extract_strided_slice %dot_general3A_169 {offsets = [0, 0], sizes = [1, 128], strides = [1, 1]} : vector<2x128xf32> to vector<1x128xf32>
    %get3A_171 = arith.constant 0 : index
    %get3A_172 = arith.constant 0 : index
    %get3A_173 = vector.load %arg5[%get3A_171, %get3A_172] : memref<128x128xf32, #tpu.memory_space<vmem>>, vector<128x128xf32>
    %dot_general3A_174 = arith.constant dense<0.000000e+00> : vector<1x128xf32>
    %dot_general3A_175 = tpu.matmul %slice3A_170, %get3A_173, %dot_general3A_174 {dimension_numbers = #tpu.dot_dimension_numbers<[1], [0], [0], [1], [0, 0, 1, 1], [], []>, transpose_lhs_hint = false} : vector<1x128xf32>, vector<128x128xf32>, vector<1x128xf32> -> vector<1x128xf32>
    %get3A_176 = arith.constant 0 : index
    %get3A_177 = arith.constant 0 : index
    %get3A_178 = vector.load %arg6[%get3A_176, %get3A_177] : memref<1x128xf32, #tpu.memory_space<vmem>>, vector<1x128xf32>
    %add3A_179 = arith.addf %dot_general3A_175, %get3A_178 : vector<1x128xf32>
    %swap3A = arith.constant 0 : index
    %swap3A_180 = arith.constant 0 : index
    %swap3A_181 = vector.load %arg9[%swap3A, %swap3A_180] : memref<4x128xf32, #tpu.memory_space<vmem>>, vector<1x128xf32>
    tpu.vector_store %arg9[%swap3A, %swap3A_180], %add3A_179 {strides = array<i32>} : memref<4x128xf32, #tpu.memory_space<vmem>>, vector<1x128xf32>,
    %slice3A_182 = vector.extract_strided_slice %dot_general3A_169 {offsets = [1, 0], sizes = [1, 128], strides = [1, 1]} : vector<2x128xf32> to vector<1x128xf32>
    %get3A_183 = arith.constant 0 : index
    %get3A_184 = arith.constant 0 : index
    %get3A_185 = vector.load %arg7[%get3A_183, %get3A_184] : memref<128x128xf32, #tpu.memory_space<vmem>>, vector<128x128xf32>
    %dot_general3A_186 = arith.constant dense<0.000000e+00> : vector<1x128xf32>
    %dot_general3A_187 = tpu.matmul %slice3A_182, %get3A_185, %dot_general3A_186 {dimension_numbers = #tpu.dot_dimension_numbers<[1], [0], [0], [1], [0, 0, 1, 1], [], []>, transpose_lhs_hint = false} : vector<1x128xf32>, vector<128x128xf32>, vector<1x128xf32> -> vector<1x128xf32>
    %get3A_188 = arith.constant 0 : index
    %get3A_189 = arith.constant 0 : index
    %get3A_190 = vector.load %arg8[%get3A_188, %get3A_189] : memref<1x128xf32, #tpu.memory_space<vmem>>, vector<1x128xf32>
    %add3A_191 = arith.addf %dot_general3A_187, %get3A_190 : vector<1x128xf32>
    %swap3A_192 = arith.constant 1 : index
    %swap3A_193 = arith.constant 0 : index
    %swap3A_194 = vector.load %arg9[%swap3A_192, %swap3A_193] : memref<4x128xf32, #tpu.memory_space<vmem>>, vector<1x128xf32>
    tpu.vector_store %arg9[%swap3A_192, %swap3A_193], %add3A_191 {strides = array<i32>} : memref<4x128xf32, #tpu.memory_space<vmem>>, vector<1x128xf32>,
    %get3A_195 = arith.constant 0 : index
    %get3A_196 = arith.constant 0 : index
    %get3A_197 = vector.load %arg1[%get3A_195, %get3A_196] : memref<3x128xf32, #tpu.memory_space<vmem>>, vector<1x128xf32>
    %swap3A_198 = arith.constant 2 : index
    %swap3A_199 = arith.constant 0 : index
    %swap3A_200 = vector.load %arg9[%swap3A_198, %swap3A_199] : memref<4x128xf32, #tpu.memory_space<vmem>>, vector<1x128xf32>
    tpu.vector_store %arg9[%swap3A_198, %swap3A_199], %get3A_197 {strides = array<i32>} : memref<4x128xf32, #tpu.memory_space<vmem>>, vector<1x128xf32>,
    %get3A_201 = arith.constant 1 : index
    %get3A_202 = arith.constant 0 : index
    %get3A_203 = vector.load %arg1[%get3A_201, %get3A_202] : memref<3x128xf32, #tpu.memory_space<vmem>>, vector<1x128xf32>
    %swap3A_204 = arith.constant 3 : index
    %swap3A_205 = arith.constant 0 : index
    %swap3A_206 = vector.load %arg9[%swap3A_204, %swap3A_205] : memref<4x128xf32, #tpu.memory_space<vmem>>, vector<1x128xf32>
    tpu.vector_store %arg9[%swap3A_204, %swap3A_205], %get3A_203 {strides = array<i32>} : memref<4x128xf32, #tpu.memory_space<vmem>>, vector<1x128xf32>,
    return
  }
}

</mosaic_0001>

<sc_bundles>
// kernel: devnet_edge_counts_sc.3.cloned.1.call-start
scs
__scs_entry_jumppad:
0x0: {  	(pc) =	sbr.rel $0x88, $3  }
0x1: {  	(tag) =	ssettag $0x0;
	lr =	simm.s32 $0x1  }
0x2: {  	[smem:$0x3F95] =	sst lr;
	_ =	strace $0xD0000000  }
0x3: {  	_ = 	snop  }
0x4: {  	_ = 	snop  }
0x5: {  	_ = 	snop  }
0x6: {  	_ = 	snop  }
0x7: {  	_ = 	snop  }
__scs_overlays_trampoline_lowered:
0x8: {  	[smem:$0x3FA4] =	sst s0  }
0x9: {  	[smem:$0x3FA5] =	sst s1  }
0xa: {  	[smem:$0x3FA6] =	sst s2  }
0xb: {  	[smem:$0x3FA7] =	sst s3  }
0xc: {  	[smem:$0x3FA8] =	sst s4  }
0xd: {  	[smem:$0x3FA9] =	sst s5  }
0xe: {  	[smem:$0x3FAA] =	sst s6  }
0xf: {  	[smem:$0x3FAB] =	sst s7  }
0x10: {  	[smem:$0x3FAC] =	sst s8  }
0x11: {  	[smem:$0x3FAD] =	sst s9;
	s0 =	simm.s32 @!p0 $0x0  }
0x12: {  	s1 =	sld [smem:$0x3F93];
	s0 =	simm.s32 @p0 $0x1  }
0x13: {  	[smem:$0x3FAE] =	sst s0;
	s0 =	simm.s32 @!p1 $0x0  }
0x14: {  	s2 =	sld [smem:$0x3F92];
	s0 =	simm.s32 @p1 $0x1  }
0x15: {  	[smem:$0x3FAF] =	sst s0;
	s0 =	simm.s32 @!p2 $0x0  }
0x16: {  	s3 =	sld [smem:$0x3FDB];
	s0 =	simm.s32 @p2 $0x1  }
0x17: {  	s4 =	simm.s32 $0x1BF5;
	[smem:$0x3FB1] =	sst s0  }
0x18: {  	s0 =	sld [smem:$0x3F94];
	_ =	swait.ge [sflag:s4], $0x0  }
0x19: {  	s7 =	sld [smem:$0x3F95]  }
0x1a: {  	s8 =	sadd.s32 $0xFFFFE003, lr  }
0x1b: {  	s9 =	sadd.s32 $0xFFFFFEF7, lr;
	s5 =	simm.s32 $0xFFFFFFFF;
	p2 =	slt.u32 s8, $0xFFFFF086  }
0x1c: {  	p1 =	slt.u32 s9, $0xF7A;
	s5 =	simm.s32 @!p2 $0x0  }
0x1d: {  	s5 =	simm.s32 @p1 $0x1;
	p0 =	seq.s32 s7, s2  }
0x1e: {  	s7 =	smul.u32 @!p0 $0xF7A, s2;
	p2 =	seq.s32 @!p0 s5, $0x0  }
0x1f: {  	s9 =	smul.u32 $0xF7A, s1;
	s8 =	simm.s32 @!p0 $0x1BF5;
	p2 =	por !p2, p0  }
0x20: {  	[sflag:s8] =	ssyncset.s32 @!p0 $0xFFFFF086;
	s6 =	sadd.s32 @!p0 s3, s7;
	s7 =	simm.s32 @!p0 $0x108  }
0x21: {  	s3 =	sadd.s32 s3, s9;
	s6 =	sadd.s32 @!p0 $0x88, s6;
	s7 =	simm.s32 @p2 $0x1082  }
0x22: {  	[simem:s7], [sflag:s8] =	dma.local @!p0 [hbm:s6], $0xF7A  }
0x23: {  	s9 =	sor.u32 $0xD0000000, s2;
	s6 =	simm.s32 $0x108;
	_ =	swait.ge @!p0 [sflag:s8], $0x0  }
0x24: {  	s3 =	sadd.s32 $0x88, s3;
	s6 =	simm.s32 @!p1 $0x1082;
	[sflag:s4] =	ssyncset.s32 $0xFFFFF086  }
0x25: {  	[simem:s6], [sflag:s4] =	dma.local [hbm:s3], $0xF7A  }
0x26: {  	[smem:$0x3F95] =	sst s1;
	(tag) =	ssettag s2;
	_ =	strace s9  }
0x27: {  	s1 =	sld [smem:$0x3FA5]  }
0x28: {  	s2 =	sld [smem:$0x3FA6]  }
0x29: {  	s4 =	sld [smem:$0x3FA8]  }
0x2a: {  	p0 =	seq.s32 s5, $0x0;
	s5 =	sld [smem:$0x3FA9]  }
0x2b: {  	s6 =	sld [smem:$0x3FAA]  }
0x2c: {  	s7 =	sld [smem:$0x3FAB]  }
0x2d: {  	s3 =	simm.s32 $0x108;
	s8 =	sld [smem:$0x3FAC]  }
0x2e: {  	s3 =	simm.s32 @!p0 $0x1082;
	s9 =	sld [smem:$0x3FAD]  }
0x2f: {  	lr =	sadd.s32 s0, s3;
	s0 =	sld [smem:$0x3FA4]  }
0x30: {  	s3 =	sld [smem:$0x3FA7]  }
0x31: {  	[smem:$0x3FB0] =	sst s10  }
0x32: {  	s10 =	sld [smem:$0x3FAE];
	_ =	sdelay $0x3  }
0x33: {  	p0 =	seq.s32 s10, $0x1;
	s10 =	sld [smem:$0x3FB0];
	_ =	sdelay $0x3  }
0x34: {  	[smem:$0x3FB0] =	sst s10  }
0x35: {  	s10 =	sld [smem:$0x3FAF];
	_ =	sdelay $0x3  }
0x36: {  	p1 =	seq.s32 s10, $0x1;
	s10 =	sld [smem:$0x3FB0];
	_ =	sdelay $0x3  }
0x37: {  	[smem:$0x3FB0] =	sst s10  }
0x38: {  	s10 =	sld [smem:$0x3FB1]  }
0x39: {  	_ = 	snop;
	(pc) =	sbr.ind lr, $3  }
0x3a: {  	_ = 	snop  }
0x3b: {  	_ = 	snop  }
0x3c: {  	p2 =	seq.s32 s10, $0x1;
	s10 =	sld [smem:$0x3FB0]  }
0x3d: {  	_ =	shalt  }
0x3e: {  	_ =	shalt  }
0x3f: {  	_ =	shalt  }
0x40: {  	_ =	shalt  }
0x41: {  	_ =	shalt  }
0x42: {  	_ =	shalt  }
0x43: {  	_ =	shalt  }
0x44: {  	_ =	shalt  }
0x45: {  	_ =	shalt  }
0x46: {  	_ =	shalt  }
0x47: {  	_ =	shalt  }
0x48: {  	_ =	shalt  }
0x49: {  	_ =	shalt  }
0x4a: {  	_ =	shalt  }
0x4b: {  	_ =	shalt  }
0x4c: {  	_ =	shalt  }
0x4d: {  	_ =	shalt  }
0x4e: {  	_ =	shalt  }
0x4f: {  	_ =	shalt  }
0x50: {  	_ =	shalt  }
0x51: {  	_ =	shalt  }
0x52: {  	_ =	shalt  }
0x53: {  	_ =	shalt  }
0x54: {  	_ =	shalt  }
0x55: {  	_ =	shalt  }
0x56: {  	_ =	shalt  }
0x57: {  	_ =	shalt  }
0x58: {  	_ =	shalt  }
0x59: {  	_ =	shalt  }
0x5a: {  	_ =	shalt  }
0x5b: {  	_ =	shalt  }
0x5c: {  	_ =	shalt  }
0x5d: {  	_ =	shalt  }
0x5e: {  	_ =	shalt  }
0x5f: {  	_ =	shalt  }
0x60: {  	_ =	shalt  }
0x61: {  	_ =	shalt  }
0x62: {  	_ =	shalt  }
0x63: {  	_ =	shalt  }
0x64: {  	_ =	shalt  }
0x65: {  	_ =	shalt  }
0x66: {  	_ =	shalt  }
0x67: {  	_ =	shalt  }
0x68: {  	_ =	shalt  }
0x69: {  	_ =	shalt  }
0x6a: {  	_ =	shalt  }
0x6b: {  	_ =	shalt  }
0x6c: {  	_ =	shalt  }
0x6d: {  	_ =	shalt  }
0x6e: {  	_ =	shalt  }
0x6f: {  	_ =	shalt  }
0x70: {  	_ =	shalt  }
0x71: {  	_ =	shalt  }
0x72: {  	_ =	shalt  }
0x73: {  	_ =	shalt  }
0x74: {  	_ =	shalt  }
0x75: {  	_ =	shalt  }
0x76: {  	_ =	shalt  }
0x77: {  	_ =	shalt  }
0x78: {  	_ =	shalt  }
0x79: {  	_ =	shalt  }
0x7a: {  	_ =	shalt  }
0x7b: {  	_ =	shalt  }
0x7c: {  	_ =	shalt  }
0x7d: {  	_ =	shalt  }
0x7e: {  	_ =	shalt  }
0x7f: {  	_ =	shalt  }
0x80: {  	_ =	shalt  }
0x81: {  	_ =	shalt  }
0x82: {  	_ =	shalt  }
0x83: {  	_ =	shalt  }
0x84: {  	_ =	shalt  }
0x85: {  	_ =	shalt  }
0x86: {  	_ =	shalt  }
0x87: {  	_ =	shalt  }
.Lfunc_end0:
.L_simem_size_0:
called_computation_lowered:
.L_overlay_start_0:
0x88: {  	s2 =	sld [smem:$0x3FD9]  }
0x89: {  	s3 =	sld [smem:$0x3FFE];
	_ =	sdelay $0x1  }
0x8a: {  	s1 =	srdreg.scid  }
0x8b: {  	s0 =	sand.u32 $0x1, s1  }
0x8c: {  	s17 =	sshll.u32 s0, $0xA;
	s2 =	sadd.s32 s3, s2  }
0x8d: {  	s2 =	sadd.s32 s2, s17  }
0x8e: {  	[smem:$0x3FBC] =	sst s2  }
0x8f: {  	_ = 	snop  }
0x90: {  	s2 =	sld [smem:$0x3FC8];
	(tm) =	ssettm $0x1  }
0x91: {  	s18 =	sld [smem:$0x3FFB];
	_ =	sdelay $0x3  }
0x92: {  	_ =	strace s18  }
0x93: {  	s3 =	sld [smem:$0x3FFC];
	_ =	sdelay $0x3  }
0x94: {  	_ =	strace s3  }
0x95: {  	s3 =	sld [smem:$0x3FFD];
	_ =	sdelay $0x3  }
0x96: {  	_ =	strace s3  }
0x97: {  	_ =	strace $0x8FFFFFFF  }
0x98: {  	s19 =	sld [smem:$0x3FDB];
	_ =	sdelay $0x1  }
0x99: {  	s4 =	simm.s32 $_scs_section_size  }
0x9a: {  	s5 =	simm.s32 $_size__tile_overlayer_lowered;
	s6 =	simm.s32 $_tile_overlayer_lowered  }
0x9b: {  	s22 =	simm.s32 $0x1BFF;
	s21 =	sshll.u32 s6, $0x1;
	s3 =	sadd.s32 s4, s19  }
0x9c: {  	s7 =	simm.s32 $0x0;
	s20 =	sshll.u32 s5, $0x1;
	s5 =	sadd.s32 s21, s3  }
0x9d: {  	[timem:s7], [sflag:s22] =	dma.local [hbm:s5], s20  }
0x9e: {  	_ =	swait.ge [sflag:s22], s20  }
0x9f: {  	s4 =	ssub.s32 $0x0, s20;
	[sflag:s22] =	ssyncset.done $0x0  }
0xa0: {  	[sflag:s22] =	ssyncadd.s32 s4;
	_ =	sdelay $0x1  }
0xa1: {  	s23 =	simm.s32 $0x1B8B  }
0xa2: {  	_ =	swait.ge [sflag:s23], $0x1  }
0xa3: {  	[sflag:s23] =	ssyncset.done $0x0  }
0xa4: {  	s25 =	simm.s32 $0x1B8E;
	s24 =	sld [smem:$0x3FFE];
	[sflag:s23] =	ssyncadd.s32 $0xFFFFFFFF  }
0xa5: {  	s26 =	simm.s32 $execute0_lowered;
	[smem:$0x3FD2] =	sst s25  }
0xa6: {  	s5 =	sshll.u32 s26, $0x1;
	_ =	strace $0x80000046;
	[dreg:$0x1] =	wrdreg $0xFFFFFFFF  }
0xa7: {  	s28 =	simm.s32 $_size_execute0_lowered;
	s3 =	sadd.s32 s3, s5;
	[dreg:$0x0] =	wrdreg $0x0  }
0xa8: {  	s5 =	sshll.u32 s28, $0x1;
	[dreg:$0x2] =	wrdreg s3  }
0xa9: {  	[dreg:$0x3] =	wrdreg s5  }
0xaa: {  	[dreg:$0x4] =	wrdreg $0xC0  }
0xab: {  	_ =	task [dreg:s7], $0x5FFFF  }
0xac: {  	[dreg:$0x1] =	wrdreg $0xFFFFFFFF  }
0xad: {  	[dreg:$0x0] =	wrdreg $0x60  }
0xae: {  	[dreg:$0x2] =	wrdreg s2  }
0xaf: {  	[dreg:$0x3] =	wrdreg s24  }
0xb0: {  	[dreg:$0x4] =	wrdreg $0x9  }
0xb1: {  	_ =	task.clear_ibuf [dreg:s7], $0x5FFFF;
	_ =	strace $0x90000046  }
0xb2: {  	s29 =	simm.s32 $0x9;
	_ =	strace $0x80000048  }
0xb3: {  	_ =	swait.ge [sflag:s29], $0x1  }
0xb4: {  	[sflag:s29] =	ssyncadd.s32 $0xFFFFFFFF  }
0xb5: {  	_ =	strace $0x90000048  }
0xb6: {  	_ =	sfence  }
0xb7: {  	s30 =	sld [smem:$0x0];
	_ =	sdelay $0x2  }
0xb8: {  	s31 =	sshll.u32 s1, $0xD;
	s1 =	sshrl.u32 s1, $0x2  }
0xb9: {  	s3 =	sand.u32 $0x4000, s31;
	s1 =	sadd.s32 s1, s30  }
0xba: {  	s0 =	sor.u32 s3, s0;
	s1 =	sshll.u32 s1, $0x11  }
0xbb: {  	s0 =	sor.u32 s1, s0  }
0xbc: {  	s0 =	sadd.s32 $0x8F2B, s0  }
0xbd: {  	[sflag:s0] =	ssyncadd.remote.s32 $0x1  }
0xbe: {  	_ =	sfence.sel $0xFFFF  }
0xbf: {  	[dreg:$0x0] =	wrdreg $0xFFFFFFFF;
	(pc) =	sbr.abs _section_cstart, $3  }
0xc0: {  	[dreg:$0x1] =	wrdreg $0xFFFFFFFF  }
0xc1: {  	_ =	task.clear_ibuf [dreg:s7], $0x2FFFF;
	_ =	strace $0x9FFFFFFF  }
0xc2: {  	(tm) =	ssettm $0x7FFFFFFF  }
0xc3: {  	_ =	shalt  }
tec
execute0_lowered:
.L_overlay_start_1:
0x0: {  	(tag) =	ssettag $0x1  }
0x1: {  	s5 =	rddreg [dreg:$0x0]  }
0x2: {  	s4 =	rddreg [dreg:$0x1]  }
0x3: {  	s0 =	rddreg [dreg:$0x2];
	s3 =	srdreg.scid  }
0x4: {  	s1 =	stileid.u32;
	s2 =	simm.s32 $0x0;
	s11 =	simm.s32 $0x4F00  }
0x5: {  	s12 =	simm.s32 $0x7700;
	s6 =	sand.u32 $0x1, s3;
	s30 =	sshll.u32 s1, $0x1  }
0x6: {  	s13 =	simm.s32 $0x4E00;
	s14 =	simm.s32 $0x2;
	s7 =	sor.u32 s6, s30  }
0x7: {  	s15 =	simm.s32 $0x0;
	[smem:$0x7FF] =	sst s2;
	s8 =	smul.u32 $0x500, s7  }
0x8: {  	s3 =	sadd.s32 $0x2200, s4;
	s6 =	ssub.s32 $0x2, s6;
	s9 =	smul.u32 $0x9C0, s7  }
.Ltmp0:
0x9: {  	p0 =	sgt.u32 s1, $0x1;
	s31 =	sshrl.u32 s6, $0x1;
	(pc) =	sbr.rel .LBB2_1-.Ltmp0, $4  }
0xa: {  	_ =	strace $0x80000047;
	s7 =	sshll.u32 s7, $0x5;
	s10 =	ssub.s32 s6, s31  }
0xb: {  	s8 =	sadd.s32 s8, s4;
	s4 =	sadd.s32 s5, s9;
	s5 =	sadd.s32 s7, s5  }
0xc: {  	v0 =	vimm.f32 $0.0e+00;
	s9 =	simm.s32 $0x9F00;
	s5 =	sadd.s32 $0x13800, s5;
	s6 =	sadd.s32 $0x2400, s8  }
0xd: {  	v1 =	vimm.s32 $0x0;
	v2 =	vlaneseq.u32;
	v3 =	vimm.f32 $1.000000000e+00;
	s7 =	sadd.s32 $0xC400, s8;
	s8 =	smax.u32 s10, $0x1;
	s10 =	simm.s32 $0x1  }
.LBB2_18:
0xe: {  	[hbm4b:s6+s2] =	stream.linear.scatter [tilespmem:s11], [sflag:$0x1], $0x2800, $0x38;
	[tilespmem:$0x9F80] =	vst v63  }
0xf: {  	s15 =	sadd.s32 $0x1, s15  }
0x10: {  	[hbm4b:s7+s2] =	stream.linear.scatter [tilespmem:s12], [sflag:$0x1], $0x2800, $0x38;
	[tilespmem:$0x9F80] =	vst v63  }
0x11: {  	p1 =	sne.s32 s15, s8;
	_ =	swait.ge [sflag:s10], $0x2800  }
.Ltmp1:
0x12: {  	[sflag:s10] =	ssyncset.done $0x0;
	(pc) =	sbr.rel @!p1 .LBB2_19-.Ltmp1, $4  }
0x13: {  	[sflag:s10] =	ssyncadd.s32 $0xFFFFD800  }
0x14: {  	_ =	swait.ge [sflag:s10], $0x2800  }
0x15: {  	[sflag:s10] =	ssyncset.done $0x0  }
0x16: {  	[sflag:s10] =	ssyncadd.s32 $0xFFFFD800  }
.LBB2_1:
0x17: {  	[tilespmem:s2], [sflag:$0x1] =	stream.linear.gather [hbm4b:s4+s2], $0x4E00, $0x38;
	[tilespmem:$0x9F80] =	vst v63  }
0x18: {  	s16 =	simm.s32 $0x40;
	s17 =	simm.s32 $0x0  }
0x19: {  	[tilespmem:s9], [sflag:$0x1] =	stream.linear.gather [hbm4b:s3+s2], $0x80, $0x38;
	[tilespmem:$0x9F80] =	vst v63  }
.LBB2_2:
0x1a: {  	p1 =	sne.s32 s16, $0x9FC0;
	[tilespmem:s17+$0x4F00] =	vst v0;
	s18 =	smov.u32 s16;
	s16 =	sadd.s32 $0x40, s16  }
.Ltmp2:
0x1b: {  	[tilespmem:s17+$0x7700] =	vst v0;
	(pc) =	sbr.rel @p1 .LBB2_2-.Ltmp2, $2  }
0x1c: {  	_ =	sdelay $0x2  }
0x1d: {  	s17 =	sshra.s32 s18, $0x2  }
0x1e: {  	[tilespmem:s17+$0x4F00] =	vst v0  }
0x1f: {  	[tilespmem:s17+$0x7700] =	vst v0  }
0x20: {  	_ =	swait.ge [sflag:s10], $0x4E00  }
0x21: {  	[sflag:s10] =	ssyncset.done $0x0  }
.Ltmp3:
0x22: {  	[sflag:s10] =	ssyncadd.s32 $0xFFFFB200;
	(pc) =	sbr.rel .LBB2_4-.Ltmp3, $4  }
0x23: {  	_ =	swait.ge [sflag:s10], $0x80  }
0x24: {  	[sflag:s10] =	ssyncset.done $0x0  }
0x25: {  	[sflag:s10] =	ssyncadd.s32 $0xFFFFFF80  }
0x26: {  	s16 =	simm.s32 $0x0;
	v4 =	vld [tilespmem:$0x9F00]  }
.LBB2_10:
0x27: {  	s16 =	sadd.s32 $0x1, s16  }
0x28: {  	p1 =	sne.s32 s16, $0x18  }
.Ltmp4:
0x29: {  	_ = 	snop;
	(pc) =	sbr.rel @!p1 .LBB2_11-.Ltmp4, $1  }
0x2a: {  	_ =	sdelay $0x3  }
.LBB2_4:
0x2b: {  	s17 =	smul.u32 $0x1A0, s16  }
0x2c: {  	s18 =	smul.u32 $0x340, s16;
	_ =	sdelay $0x1  }
0x2d: {  	s19 =	sand.u32 $0x60, s17;
	s18 =	sand.u32 $0x7F00, s18  }
0x2e: {  	s18 =	sor.u32 s19, s18  }
0x2f: {  	s25 =	sadd.s32 $0x20, s17;
	v5 =	vld [tilespmem:s18+$0x0]  }
0x30: {  	s20 =	sshll.u32 s25, $0x1;
	v6 =	vld [tilespmem:s18+$0x80]  }
0x31: {  	s21 =	sadd.s32 $0x30, s17;
	s19 =	sand.u32 $0x60, s25;
	v7 =	vld [tilespmem:s18+$0x10];
	s20 =	sand.u32 $0xFF00, s20  }
0x32: {  	s26 =	sshll.u32 s21, $0x1;
	v8 =	vld [tilespmem:s18+$0x90];
	s19 =	sor.u32 s19, s20  }
0x33: {  	s22 =	sadd.s32 $0x40, s17;
	s21 =	sand.u32 $0x70, s21;
	s20 =	sand.u32 $0xFF00, s26;
	v9 =	vld [tilespmem:s19+$0x0]  }
0x34: {  	s29 =	sshll.u32 s22, $0x1;
	v10 =	vld [tilespmem:s19+$0x80];
	s28 =	sor.u32 s21, s20  }
0x35: {  	s31 =	sadd.s32 $0x50, s17;
	s30 =	sand.u32 $0x60, s22;
	s20 =	sand.u32 $0xFF00, s29;
	vm0 =	veq.s32 v5, v4;
	vm1 =	veq.s32 v6, v4;
	v5 =	vld [tilespmem:s28+$0x0]  }
0x36: {  	s24 =	sshll.u32 s31, $0x1;
	s23 =	sor.u32 s30, s20;
	vm14 =	veq.s32 v7, v4;
	v6 =	vld [tilespmem:s28+$0x80];
	vm0 =	vmor vm0, vm1  }
0x37: {  	s25 =	sand.u32 $0x70, s31;
	s26 =	sadd.s32 $0x60, s17;
	s20 =	sand.u32 $0xFF00, s24;
	vm15 =	veq.s32 v8, v4;
	v7 =	vld [tilespmem:s23+$0x0];
	vm0 =	vmor vm0, vm14  }
0x38: {  	s29 =	sshll.u32 s26, $0x1;
	v46 =	vld [tilespmem:s23+$0x80];
	s28 =	sor.u32 s25, s20;
	vm4 =	veq.s32 v9, v4;
	vm0 =	vmor vm0, vm15  }
0x39: {  	s31 =	sadd.s32 $0x70, s17;
	s30 =	sand.u32 $0x60, s26;
	s20 =	sand.u32 $0xFF00, s29;
	v47 =	vld [tilespmem:s28+$0x0];
	vm5 =	veq.s32 v10, v4;
	vm0 =	vmor vm0, vm4  }
0x3a: {  	s23 =	sshll.u32 s31, $0x1;
	s21 =	sor.u32 s30, s20;
	vm0 =	vmor vm0, vm5;
	vm6 =	veq.s32 v5, v4;
	v5 =	vld [tilespmem:s28+$0x80]  }
0x3b: {  	s24 =	sand.u32 $0x70, s31;
	s20 =	sand.u32 $0xFF00, s23;
	vm7 =	veq.s32 v6, v4;
	v6 =	vld [tilespmem:s21+$0x0];
	vm0 =	vmor vm0, vm6  }
0x3c: {  	s25 =	sor.u32 s24, s20;
	vm8 =	veq.s32 v7, v4;
	v7 =	vld [tilespmem:s21+$0x80];
	vm0 =	vmor vm0, vm7  }
0x3d: {  	s26 =	sadd.s32 $0x90, s17;
	v48 =	vld [tilespmem:s25+$0x0];
	vm9 =	veq.s32 v46, v4;
	vm0 =	vmor vm0, vm8  }
0x3e: {  	v49 =	vld [tilespmem:s25+$0x80];
	s28 =	sshll.u32 s26, $0x1;
	vm10 =	veq.s32 v47, v4;
	vm0 =	vmor vm0, vm9  }
0x3f: {  	s29 =	sadd.s32 $0xA0, s17;
	s20 =	sand.u32 $0x70, s26;
	s19 =	sand.u32 $0xFF00, s28;
	vm0 =	vmor vm0, vm10;
	vm11 =	veq.s32 v5, v4;
	v5 =	vld [tilespmem:s18+$0x100]  }
0x40: {  	s30 =	sshll.u32 s29, $0x1;
	s19 =	sor.u32 s20, s19;
	vm12 =	veq.s32 v6, v4;
	v6 =	vld [tilespmem:s18+$0x180];
	vm0 =	vmor vm0, vm11  }
0x41: {  	s31 =	sadd.s32 $0xB0, s17;
	s21 =	sand.u32 $0x60, s29;
	s20 =	sand.u32 $0xFF00, s30;
	vm13 =	veq.s32 v7, v4;
	v7 =	vld [tilespmem:s19+$0x0];
	vm0 =	vmor vm0, vm12  }
0x42: {  	s24 =	sshll.u32 s31, $0x1;
	vm14 =	veq.s32 v48, v4;
	v50 =	vld [tilespmem:s19+$0x80];
	s23 =	sor.u32 s21, s20;
	vm0 =	vmor vm0, vm13  }
0x43: {  	s25 =	sand.u32 $0x70, s31;
	s26 =	sadd.s32 $0xC0, s17;
	vm15 =	veq.s32 v49, v4;
	s20 =	sand.u32 $0xFF00, s24;
	v51 =	vld [tilespmem:s23+$0x0];
	vm0 =	vmor vm0, vm14  }
0x44: {  	s29 =	sshll.u32 s26, $0x1;
	s28 =	sor.u32 s25, s20;
	vm0 =	vmor vm0, vm15;
	vm4 =	veq.s32 v5, v4;
	v5 =	vld [tilespmem:s23+$0x80]  }
0x45: {  	s31 =	sadd.s32 $0xD0, s17;
	s30 =	sand.u32 $0x60, s26;
	s20 =	sand.u32 $0xFF00, s29;
	vm5 =	veq.s32 v6, v4;
	v6 =	vld [tilespmem:s28+$0x0];
	vm0 =	vmor vm0, vm4  }
0x46: {  	s24 =	sshll.u32 s31, $0x1;
	vm6 =	veq.s32 v7, v4;
	v7 =	vld [tilespmem:s28+$0x80];
	s23 =	sor.u32 s30, s20;
	vm0 =	vmor vm0, vm5  }
0x47: {  	s26 =	sadd.s32 $0xE0, s17;
	s25 =	sand.u32 $0x70, s31;
	vm7 =	veq.s32 v50, v4;
	s20 =	sand.u32 $0xFF00, s24;
	v52 =	vld [tilespmem:s23+$0x0];
	vm0 =	vmor vm0, vm6  }
0x48: {  	s29 =	sshll.u32 s26, $0x1;
	vm8 =	veq.s32 v51, v4;
	v53 =	vld [tilespmem:s23+$0x80];
	s28 =	sor.u32 s25, s20;
	vm0 =	vmor vm0, vm7  }
0x49: {  	s31 =	sadd.s32 $0xF0, s17;
	s30 =	sand.u32 $0x60, s26;
	s20 =	sand.u32 $0xFF00, s29;
	vm0 =	vmor vm0, vm8;
	vm9 =	veq.s32 v5, v4;
	v5 =	vld [tilespmem:s28+$0x0]  }
0x4a: {  	s23 =	sshll.u32 s31, $0x1;
	s21 =	sor.u32 s30, s20;
	vm10 =	veq.s32 v6, v4;
	v6 =	vld [tilespmem:s28+$0x80];
	vm0 =	vmor vm0, vm9  }
0x4b: {  	s24 =	sand.u32 $0x70, s31;
	s20 =	sand.u32 $0xFF00, s23;
	vm11 =	veq.s32 v7, v4;
	v7 =	vld [tilespmem:s21+$0x0];
	vm0 =	vmor vm0, vm10  }
0x4c: {  	v54 =	vld [tilespmem:s21+$0x80];
	s25 =	sor.u32 s24, s20;
	vm12 =	veq.s32 v52, v4;
	vm0 =	vmor vm0, vm11  }
0x4d: {  	s26 =	sadd.s32 $0x110, s17;
	v55 =	vld [tilespmem:s25+$0x0];
	vm13 =	veq.s32 v53, v4;
	vm0 =	vmor vm0, vm12  }
0x4e: {  	s28 =	sshll.u32 s26, $0x1;
	vm0 =	vmor vm0, vm13;
	vm14 =	veq.s32 v5, v4;
	v5 =	vld [tilespmem:s25+$0x80]  }
0x4f: {  	s29 =	sadd.s32 $0x120, s17;
	s20 =	sand.u32 $0x70, s26;
	s19 =	sand.u32 $0xFF00, s28;
	vm15 =	veq.s32 v6, v4;
	v6 =	vld [tilespmem:s18+$0x200];
	vm0 =	vmor vm0, vm14  }
0x50: {  	s30 =	sshll.u32 s29, $0x1;
	s19 =	sor.u32 s20, s19;
	vm4 =	veq.s32 v7, v4;
	v7 =	vld [tilespmem:s18+$0x280];
	vm0 =	vmor vm0, vm15  }
0x51: {  	s31 =	sadd.s32 $0x130, s17;
	s21 =	sand.u32 $0x60, s29;
	s20 =	sand.u32 $0xFF00, s30;
	vm5 =	veq.s32 v54, v4;
	v56 =	vld [tilespmem:s19+$0x0];
	vm0 =	vmor vm0, vm4  }
0x52: {  	s24 =	sshll.u32 s31, $0x1;
	v57 =	vld [tilespmem:s19+$0x80];
	s23 =	sor.u32 s21, s20;
	vm6 =	veq.s32 v55, v4;
	vm0 =	vmor vm0, vm5  }
0x53: {  	s26 =	sadd.s32 $0x140, s17;
	s20 =	sand.u32 $0xFF00, s24;
	s25 =	sand.u32 $0x70, s31;
	vm0 =	vmor vm0, vm6;
	vm7 =	veq.s32 v5, v4;
	v5 =	vld [tilespmem:s23+$0x0]  }
0x54: {  	s29 =	sshll.u32 s26, $0x1;
	s28 =	sor.u32 s25, s20;
	vm8 =	veq.s32 v6, v4;
	v6 =	vld [tilespmem:s23+$0x80];
	vm0 =	vmor vm0, vm7  }
0x55: {  	s30 =	sand.u32 $0x60, s26;
	s31 =	sadd.s32 $0x150, s17;
	s20 =	sand.u32 $0xFF00, s29;
	vm9 =	veq.s32 v7, v4;
	v7 =	vld [tilespmem:s28+$0x0];
	vm0 =	vmor vm0, vm8  }
0x56: {  	s24 =	sshll.u32 s31, $0x1;
	v58 =	vld [tilespmem:s28+$0x80];
	vm10 =	veq.s32 v56, v4;
	s23 =	sor.u32 s30, s20;
	vm0 =	vmor vm0, vm9  }
0x57: {  	s26 =	sadd.s32 $0x160, s17;
	s25 =	sand.u32 $0x70, s31;
	vm11 =	veq.s32 v57, v4;
	s20 =	sand.u32 $0xFF00, s24;
	v59 =	vld [tilespmem:s23+$0x0];
	vm0 =	vmor vm0, vm10  }
0x58: {  	s29 =	sshll.u32 s26, $0x1;
	s28 =	sor.u32 s25, s20;
	vm0 =	vmor vm0, vm11;
	vm12 =	veq.s32 v5, v4;
	v5 =	vld [tilespmem:s23+$0x80]  }
0x59: {  	s31 =	sadd.s32 $0x170, s17;
	s30 =	sand.u32 $0x60, s26;
	s20 =	sand.u32 $0xFF00, s29;
	vm13 =	veq.s32 v6, v4;
	v6 =	vld [tilespmem:s28+$0x0];
	vm0 =	vmor vm0, vm12  }
0x5a: {  	s24 =	sshll.u32 s31, $0x1;
	v60 =	vld [tilespmem:s28+$0x80];
	vm14 =	veq.s32 v7, v4;
	s23 =	sor.u32 s30, s20;
	vm0 =	vmor vm0, vm13  }
0x5b: {  	s25 =	sand.u32 $0x70, s31;
	vm15 =	veq.s32 v58, v4;
	s20 =	sand.u32 $0xFF00, s24;
	v7 =	vld [tilespmem:s23+$0x0];
	vm0 =	vmor vm0, vm14  }
0x5c: {  	v61 =	vld [tilespmem:s23+$0x80];
	vm4 =	veq.s32 v59, v4;
	s26 =	sor.u32 s25, s20;
	vm0 =	vmor vm0, vm15  }
0x5d: {  	s28 =	sadd.s32 $0x190, s17;
	vm0 =	vmor vm0, vm4;
	vm5 =	veq.s32 v5, v4;
	v5 =	vld [tilespmem:s26+$0x0]  }
0x5e: {  	s29 =	sshll.u32 s28, $0x1;
	vm6 =	veq.s32 v6, v4;
	v6 =	vld [tilespmem:s26+$0x80];
	vm0 =	vmor vm0, vm5  }
0x5f: {  	v62 =	vld [tilespmem:s18+$0x300];
	s20 =	sand.u32 $0x70, s28;
	vm7 =	veq.s32 v60, v4;
	s19 =	sand.u32 $0xFF00, s29;
	vm0 =	vmor vm0, vm6  }
0x60: {  	s30 =	sor.u32 s20, s19;
	vm8 =	veq.s32 v7, v4;
	v7 =	vld [tilespmem:s18+$0x380];
	vm0 =	vmor vm0, vm7  }
0x61: {  	v63 =	vld [tilespmem:s30+$0x0];
	vm9 =	veq.s32 v61, v4;
	vm0 =	vmor vm0, vm8  }
0x62: {  	vm0 =	vmor vm0, vm9;
	vm10 =	veq.s32 v5, v4;
	v5 =	vld [tilespmem:s30+$0x80]  }
0x63: {  	vm11 =	veq.s32 v6, v4;
	vm0 =	vmor vm0, vm10  }
0x64: {  	vm12 =	veq.s32 v62, v4;
	vm0 =	vmor vm0, vm11  }
0x65: {  	vm13 =	veq.s32 v7, v4;
	vm0 =	vmor vm0, vm12  }
0x66: {  	vm14 =	veq.s32 v63, v4;
	vm0 =	vmor vm0, vm13  }
0x67: {  	vm0 =	vmor vm0, vm14;
	vm15 =	veq.s32 v5, v4  }
0x68: {  	vm0 =	vmor vm0, vm15  }
0x69: {  	v5 =	vsel vm0, $0x1, v1  }
0x6a: {  	(xrf0) =	vadd.scan.msk.s32 $0xffff, v5;
	_ =	sdelay $0x5  }
0x6b: {  	v5, _, _ =	vpop (xrf0)  }
0x6c: {  	(v2sf) =	vpush v5, $0xF;
	_ =	sdelay $0xe  }
0x6d: {  	s31 =	spop (v2sf)  }
0x6e: {  	p1 =	slt.s32 s31, $0x1  }
.Ltmp5:
0x6f: {  	_ = 	snop;
	(pc) =	sbr.rel @!p1 .LBB2_5-.Ltmp5, $4  }
.Ltmp6:
0x70: {  	_ = 	snop;
	(pc) =	sbr.rel @p1 .LBB2_10-.Ltmp6, $4  }
0x71: {  	_ = 	snop  }
0x72: {  	_ = 	snop  }
0x73: {  	s18 =	simm.s32 $0x0  }
0x74: {  	_ = 	snop  }
.LBB2_9:
0x75: {  	s18 =	sadd.s32 $0x1, s18  }
0x76: {  	p1 =	sne.s32 s18, $0x1A  }
.Ltmp7:
0x77: {  	_ = 	snop;
	(pc) =	sbr.rel @!p1 .LBB2_10-.Ltmp7, $1  }
0x78: {  	_ =	sdelay $0x3  }
.LBB2_5:
0x79: {  	s19 =	sshll.u32 s18, $0x4  }
0x7a: {  	s19 =	sadd.s32 s17, s19  }
0x7b: {  	s20 =	sshll.u32 s19, $0x1  }
0x7c: {  	s19 =	sand.u32 $0x70, s19;
	s20 =	sand.u32 $0xFF00, s20  }
0x7d: {  	s19 =	sor.u32 s19, s20  }
0x7e: {  	v5 =	vld [tilespmem:s19+$0x0]  }
0x7f: {  	v6 =	vld [tilespmem:s19+$0x80];
	_ =	sdelay $0x4  }
0x80: {  	vm0 =	veq.s32 v6, v4;
	vm1 =	veq.s32 v5, v4  }
0x81: {  	vm2 =	vmor vm1, vm0  }
0x82: {  	v7 =	vsel vm2, $0x1, v1  }
0x83: {  	(xrf0) =	vadd.scan.msk.s32 $0xffff, v7;
	_ =	sdelay $0x5  }
0x84: {  	v7, _, _ =	vpop (xrf0)  }
0x85: {  	(v2sf) =	vpush v7, $0xF;
	_ =	sdelay $0xe  }
0x86: {  	s31 =	spop (v2sf)  }
0x87: {  	p1 =	slt.s32 s31, $0x1  }
.Ltmp8:
0x88: {  	_ = 	snop;
	(pc) =	sbr.rel @p1 .LBB2_9-.Ltmp8, $2  }
0x89: {  	_ =	sdelay $0x2  }
0x8a: {  	s19 =	simm.s32 $0x0  }
0x8b: {  	v7 =	vmov s19  }
0x8c: {  	vm3 =	veq.s32 v7, v2  }
0x8d: {  	s19 =	sadd.s32 $0x1, s19;
	vm2 =	vmand vm0, vm3;
	vm3 =	vmand vm1, vm3  }
.LBB2_7:
0x8e: {  	_ = 	snop  }
0x8f: {  	p1 =	sne.s32 s19, $0xF  }
.Ltmp9:
0x90: {  	_ = 	snop;
	(pc) =	sbr.rel @p1 .LBB2_7-.Ltmp9, $4  }
0x91: {  	_ = 	snop  }
0x92: {  	v7 =	vmov s19  }
0x93: {  	[tilespmem:v5+s11+$0x0] =	vst.idx.add.f32.msk vm2, v3;
	vm4 =	veq.s32 v7, v2  }
0x94: {  	s19 =	sadd.s32 $0x1, s19;
	[tilespmem:v6+s12+$0x0] =	vst.idx.add.f32.msk vm3, v3;
	vm2 =	vmand vm0, vm4;
	vm3 =	vmand vm1, vm4  }
0x95: {  	_ =	sdelay $0x1  }
.Ltmp10:
0x96: {  	_ = 	snop;
	(pc) =	sbr.rel .LBB2_9-.Ltmp10, $3  }
0x97: {  	_ =	sdelay $0x1  }
0x98: {  	[tilespmem:v5+s11+$0x0] =	vst.idx.add.f32.msk vm2, v3  }
0x99: {  	[tilespmem:v6+s12+$0x0] =	vst.idx.add.f32.msk vm3, v3  }
.LBB2_11:
.Ltmp11:
0x9a: {  	(pc) =	sbr.rel @p0 .LBB2_18-.Ltmp11, $1  }
0x9b: {  	_ =	sdelay $0x3  }
.Ltmp12:
0x9c: {  	s16 =	simm.s32 $0x0;
	(pc) =	sbr.rel .LBB2_13-.Ltmp12, $4  }
0x9d: {  	[tilespmem:s13], [sflag:$0x2] =	stream.linear.gather [hbm4b:s5+s16], $0x100, $0x38;
	[tilespmem:$0x9F80] =	vst v63  }
0x9e: {  	_ =	swait.ge [sflag:s14], $0x100  }
0x9f: {  	[sflag:s14] =	ssyncset.done $0x0  }
0xa0: {  	s17 =	simm.s32 $0x0;
	[sflag:s14] =	ssyncadd.s32 $0xFFFFFF00  }
.LBB2_17:
0xa1: {  	s17 =	sadd.s32 $0x1, s17  }
0xa2: {  	p1 =	sne.s32 s17, $0x8  }
.Ltmp13:
0xa3: {  	_ = 	snop;
	(pc) =	sbr.rel @!p1 .LBB2_18-.Ltmp13, $1  }
0xa4: {  	_ =	sdelay $0x3  }
.LBB2_13:
0xa5: {  	s18 =	sshll.u32 s17, $0x4  }
0xa6: {  	v5 =	vld [tilespmem:s18+$0x4E00]  }
0xa7: {  	v6 =	vld [tilespmem:s18+$0x4E80];
	_ =	sdelay $0x4  }
0xa8: {  	vm0 =	veq.s32 v6, v4;
	vm1 =	veq.s32 v5, v4  }
0xa9: {  	vm2 =	vmor vm1, vm0  }
0xaa: {  	v7 =	vsel vm2, $0x1, v1  }
0xab: {  	(xrf0) =	vadd.scan.msk.s32 $0xffff, v7;
	_ =	sdelay $0x5  }
0xac: {  	v7, _, _ =	vpop (xrf0)  }
0xad: {  	(v2sf) =	vpush v7, $0xF;
	_ =	sdelay $0xe  }
0xae: {  	s31 =	spop (v2sf)  }
0xaf: {  	p1 =	slt.s32 s31, $0x1  }
.Ltmp14:
0xb0: {  	_ = 	snop;
	(pc) =	sbr.rel @p1 .LBB2_17-.Ltmp14, $1  }
0xb1: {  	_ =	sdelay $0x3  }
0xb2: {  	v7 =	vmov s16  }
0xb3: {  	vm3 =	veq.s32 v7, v2  }
0xb4: {  	s18 =	sadd.s32 $0x1, s16;
	vm2 =	vmand vm0, vm3;
	vm3 =	vmand vm1, vm3  }
.LBB2_15:
0xb5: {  	_ = 	snop  }
0xb6: {  	p1 =	sne.s32 s18, $0xF  }
.Ltmp15:
0xb7: {  	_ = 	snop;
	(pc) =	sbr.rel @p1 .LBB2_15-.Ltmp15, $4  }
0xb8: {  	_ = 	snop  }
0xb9: {  	v7 =	vmov s18  }
0xba: {  	[tilespmem:v5+s11+$0x0] =	vst.idx.add.f32.msk vm2, v3;
	vm4 =	veq.s32 v7, v2  }
0xbb: {  	s18 =	sadd.s32 $0x1, s18;
	[tilespmem:v6+s12+$0x0] =	vst.idx.add.f32.msk vm3, v3;
	vm2 =	vmand vm0, vm4;
	vm3 =	vmand vm1, vm4  }
0xbc: {  	_ =	sdelay $0x1  }
.Ltmp16:
0xbd: {  	_ = 	snop;
	(pc) =	sbr.rel .LBB2_17-.Ltmp16, $3  }
0xbe: {  	_ =	sdelay $0x1  }
0xbf: {  	[tilespmem:v5+s11+$0x0] =	vst.idx.add.f32.msk vm2, v3  }
0xc0: {  	[tilespmem:v6+s12+$0x0] =	vst.idx.add.f32.msk vm3, v3  }
.LBB2_19:
0xc1: {  	_ =	sfence.sel $0x180000  }
0xc2: {  	[bflag:$0x0] =	sbarrier.arrive $0xFFFF  }
0xc3: {  	p0 =	sne.s32 s1, $0x0;
	_ =	strace $0x90000047  }
0xc4: {  	s0 =	sadd.s32 @!p0 $0x100000, s0;
	[bflag:$0x2] =	sbarrier.arrive $0xFFFF  }
0xc5: {  	[sflag:s0] =	ssyncadd.tile.s32 @!p0 $0x1;
	_ =	shalt  }
.Lfunc_end2:
_tile_overlayer_lowered:
.L_overlay_start_2:
0xc6: {  	(tag) =	ssettag $0x2  }
0xc7: {  	s0 =	rddreg [dreg:$0x0];
	s2 =	stileid.u32  }
0xc8: {  	s1 =	rddreg [dreg:$0x1];
	p0 =	sne.s32 s2, $0x0  }
0xc9: {  	s3 =	rddreg [dreg:$0x2];
	[bflag:$0x3] =	sbarrier.arrive $0xFFFF;
	s2 =	simm.s32 @!p0 $0x1C02  }
0xca: {  	[timem:s3], [sflag:s2] =	dma.local @!p0 [hbm:s0], s1  }
0xcb: {  	s0 =	simm.s32 @!p0 $0x2  }
0xcc: {  	_ =	swait.ge @!p0 [sflag:s0], s1  }
0xcd: {  	s1 =	ssub.s32 @!p0 $0x0, s1;
	[sflag:s0] =	ssyncset.done @!p0 $0x0  }
0xce: {  	[sflag:s0] =	ssyncadd.s32 @!p0 s1  }
0xcf: {  	[bflag:$0x3] =	sbarrier.arrive $0xFFFF  }
0xd0: {  	_ =	shalt  }

</sc_bundles>
